<compile_context>
chip_gen: v7x
topology: tpu7x:2x2x1
jax: 0.10.2.dev20260603
libtpu: 0.0.44.dev20260713+nightly
codegen_flags: <defaults>
</compile_context>

<pallas_src>
import functools

import jax
import jax.numpy as jnp
from jax import lax
from jax.experimental import pallas as pl
from jax.experimental.pallas import tpu as pltpu
from jax.experimental.pallas import tpu_sc as plsc

E = 8
K = 2
H = 1024
I = 2048
T = 2048
EPAD = 128

B = 256
NT = 23
P = NT * B
SELW = 512

NC = 2
NS = 16
NW = NC * NS
CHUNK = T // NW
SUB = 32
GW = 128


def _meta_body(x_ref, rw_ref, posc_ref, wexp_ref, texp_ref, tval_ref):
    x = x_ref[...]
    logits = lax.dot_general(
        x, rw_ref[...], (((1,), (1,)), ((), ())),
        preferred_element_type=jnp.float32,
    )
    lane = lax.broadcasted_iota(jnp.int32, (T, EPAD), 1)
    valid = lane < E
    logits = jnp.where(valid, logits, -1e30)
    m = jnp.max(logits, axis=1, keepdims=True)
    p = jnp.where(valid, jnp.exp(logits - m), 0.0)
    probs = p / jnp.sum(p, axis=1, keepdims=True)

    m1 = jnp.max(probs, axis=1, keepdims=True)
    idx1 = jnp.min(jnp.where(probs == m1, lane, EPAD), axis=1, keepdims=True)
    probs2 = jnp.where(lane == idx1, -1.0, probs)
    m2 = jnp.max(probs2, axis=1, keepdims=True)
    idx2 = jnp.min(jnp.where(probs2 == m2, lane, EPAD), axis=1, keepdims=True)

    oh0 = (lane == idx1).astype(jnp.bfloat16)
    oh1 = (lane == idx2).astype(jnp.bfloat16)

    r_i = lax.broadcasted_iota(jnp.int32, (T, T), 0)
    c_i = lax.broadcasted_iota(jnp.int32, (T, T), 1)
    s_tri = (r_i > c_i).astype(jnp.bfloat16)
    rank0 = lax.dot_general(
        s_tri, oh0, (((1,), (0,)), ((), ())),
        preferred_element_type=jnp.float32,
    )
    cnt0 = jnp.sum(oh0.astype(jnp.float32), axis=0, keepdims=True)
    rank1 = lax.dot_general(
        s_tri, oh1, (((1,), (0,)), ((), ())),
        preferred_element_type=jnp.float32,
    ) + cnt0
    cnt1 = jnp.sum(oh1.astype(jnp.float32), axis=0, keepdims=True)
    counts = (cnt0 + cnt1).astype(jnp.int32)

    pc = ((counts + (B - 1)) // B) * B
    li = lax.broadcasted_iota(jnp.int32, (EPAD, EPAD), 0)
    lj = lax.broadcasted_iota(jnp.int32, (EPAD, EPAD), 1)
    slt = (li < lj).astype(jnp.bfloat16)
    start = lax.dot_general(
        pc.astype(jnp.bfloat16), slt, (((1,), (0,)), ((), ())),
        preferred_element_type=jnp.float32,
    ).astype(jnp.int32)

    start_b = jnp.broadcast_to(start.astype(jnp.float32), (T, EPAD))
    pos0 = jnp.sum(
        jnp.where(lane == idx1, start_b + rank0, 0.0), axis=1, keepdims=True
    )
    pos1 = jnp.sum(
        jnp.where(lane == idx2, start_b + rank1, 0.0), axis=1, keepdims=True
    )
    posc_ref[...] = jnp.where(
        lane == 0, pos0, jnp.where(lane == 1, pos1, 0.0)
    ).astype(jnp.int32)

    wexp_ref[0:T, :] = jnp.broadcast_to(m1, (T, EPAD))
    wexp_ref[T : 2 * T, :] = jnp.broadcast_to(m2, (T, EPAD))

    tstart = start // B
    tcnt = pc // B
    ti = lax.broadcasted_iota(jnp.int32, (1, EPAD), 1)
    texp = jnp.zeros((1, EPAD), jnp.int32)
    tval = jnp.zeros((1, EPAD), jnp.int32)
    for e in range(E):
        ts = tstart[0, e]
        tc = tcnt[0, e]
        mask = (ti >= ts) & (ti < ts + tc)
        texp = texp + e * mask.astype(jnp.int32)
        tval = tval + mask.astype(jnp.int32)
    last_e = jnp.max(texp * tval)
    texp_ref[...] = jnp.where(tval == 1, texp, last_e)
    tval_ref[...] = tval


def _run_meta(xf, rw_pad):
    return pl.pallas_call(
        _meta_body,
        out_shape=(
            jax.ShapeDtypeStruct((T, EPAD), jnp.int32),
            jax.ShapeDtypeStruct((K * T, EPAD), jnp.float32),
            jax.ShapeDtypeStruct((1, EPAD), jnp.int32),
            jax.ShapeDtypeStruct((1, EPAD), jnp.int32),
        ),
        in_specs=[
            pl.BlockSpec((T, H), lambda: (0, 0)),
            pl.BlockSpec((EPAD, H), lambda: (0, 0)),
        ],
        out_specs=(
            pl.BlockSpec((T, EPAD), lambda: (0, 0)),
            pl.BlockSpec((K * T, EPAD), lambda: (0, 0)),
            pl.BlockSpec((1, EPAD), lambda: (0, 0)),
            pl.BlockSpec((1, EPAD), lambda: (0, 0)),
        ),
    )(xf, rw_pad)


def _disp_body(x_hbm, pos3_hbm, wexp_hbm, xs_hbm, gs_hbm,
               xv, wv0, wv1, idx0, idx1, sem0, sem1, sem2, sem3):
    wid = lax.axis_index("s") * NC + lax.axis_index("c")
    base = wid * CHUNK
    pltpu.sync_copy(x_hbm.at[pl.ds(base, CHUNK)], xv)
    pltpu.sync_copy(pos3_hbm.at[wid, 0], idx0)
    pltpu.sync_copy(pos3_hbm.at[wid, 1], idx1)
    pltpu.sync_copy(wexp_hbm.at[pl.ds(base, CHUNK)], wv0)
    pltpu.sync_copy(wexp_hbm.at[pl.ds(T + base, CHUNK)], wv1)
    c0 = pltpu.async_copy(xv, xs_hbm.at[idx0], sem0)
    c1 = pltpu.async_copy(xv, xs_hbm.at[idx1], sem1)
    c2 = pltpu.async_copy(wv0, gs_hbm.at[idx0], sem2)
    c3 = pltpu.async_copy(wv1, gs_hbm.at[idx1], sem3)
    c0.wait()
    c1.wait()
    c2.wait()
    c3.wait()


def _dispatch_sc(xf, pos3, wexp):
    run = functools.partial(
        pl.kernel,
        out_type=(
            jax.ShapeDtypeStruct((P, H), jnp.float32),
            jax.ShapeDtypeStruct((P, GW), jnp.float32),
        ),
        mesh=plsc.VectorSubcoreMesh(core_axis_name="c", subcore_axis_name="s"),
        scratch_types=[
            pltpu.VMEM((CHUNK, H), jnp.float32),
            pltpu.VMEM((CHUNK, GW), jnp.float32),
            pltpu.VMEM((CHUNK, GW), jnp.float32),
            pltpu.VMEM((CHUNK,), jnp.int32),
            pltpu.VMEM((CHUNK,), jnp.int32),
            pltpu.SemaphoreType.DMA,
            pltpu.SemaphoreType.DMA,
            pltpu.SemaphoreType.DMA,
            pltpu.SemaphoreType.DMA,
        ],
    )(_disp_body)
    return run(xf, pos3, wexp)


def _ffn_body(texp_ref, tval_ref, xs_ref, gs_ref, w1_ref, w2_ref,
              y_ref, sel_ref):
    i = pl.program_id(0)

    @pl.when(i == 0)
    def _():
        qi = lax.broadcasted_iota(jnp.int32, (2 * SELW, SELW), 0)
        ii = lax.broadcasted_iota(jnp.int32, (2 * SELW, SELW), 1)
        sel_ref[...] = (qi == 2 * ii + 1).astype(jnp.bfloat16)

    @pl.when(tval_ref[0, i] == 1)
    def _():
        x = xs_ref[...].astype(jnp.bfloat16)
        wblk = w1_ref[0].astype(jnp.bfloat16)
        h = lax.dot_general(
            x, wblk, (((1,), (1,)), ((), ())),
            preferred_element_type=jnp.float32,
        )
        sh = h * jax.nn.sigmoid(h)
        shr = pltpu.roll(sh, 1, 1)
        p = (shr * h).astype(jnp.bfloat16)
        sel = sel_ref[...]
        parts = [
            lax.dot_general(
                p[:, 2 * SELW * k : 2 * SELW * (k + 1)], sel,
                (((1,), (0,)), ((), ())),
                preferred_element_type=jnp.float32,
            )
            for k in range(I // SELW)
        ]
        a = jnp.concatenate(parts, axis=1).astype(jnp.bfloat16)
        w2b = w2_ref[0].astype(jnp.bfloat16)
        partial = lax.dot_general(
            a, w2b, (((1,), (1,)), ((), ())),
            preferred_element_type=jnp.float32,
        )
        y_ref[...] = partial * gs_ref[:, 0:1]


def _run_ffn(texp, tval, xs, gs, w1p, w2):
    grid_spec = pltpu.PrefetchScalarGridSpec(
        num_scalar_prefetch=2,
        grid=(NT,),
        in_specs=[
            pl.BlockSpec((B, H), lambda i, texp, tval: (i, 0)),
            pl.BlockSpec((B, GW), lambda i, texp, tval: (i, 0)),
            pl.BlockSpec(
                (1, 2 * I, H), lambda i, texp, tval: (texp[0, i], 0, 0)
            ),
            pl.BlockSpec(
                (1, H, I), lambda i, texp, tval: (texp[0, i], 0, 0)
            ),
        ],
        out_specs=pl.BlockSpec((B, H), lambda i, texp, tval: (i, 0)),
        scratch_shapes=[
            pltpu.VMEM((2 * SELW, SELW), jnp.bfloat16),
        ],
    )
    return pl.pallas_call(
        _ffn_body,
        grid_spec=grid_spec,
        out_shape=jax.ShapeDtypeStruct((P, H), jnp.float32),
        compiler_params=pltpu.CompilerParams(
            dimension_semantics=("arbitrary",),
            vmem_limit_bytes=110 * 1024 * 1024,
        ),
    )(texp, tval, xs, gs, w1p, w2)


def _comb_body(y_hbm, pos3_hbm, out_hbm, r0, r1, idx0, idx1, sem0, sem1):
    wid = lax.axis_index("s") * NC + lax.axis_index("c")
    base = wid * CHUNK
    for s in range(CHUNK // SUB):
        off = s * SUB
        pltpu.sync_copy(pos3_hbm.at[wid, 0, pl.ds(off, SUB)], idx0)
        pltpu.sync_copy(pos3_hbm.at[wid, 1, pl.ds(off, SUB)], idx1)
        c0 = pltpu.async_copy(y_hbm.at[idx0], r0, sem0)
        c1 = pltpu.async_copy(y_hbm.at[idx1], r1, sem1)
        c0.wait()
        c1.wait()

        def token_body(n, carry):
            def col_body(q4, carry2):
                for d in range(4):
                    sl = pl.ds(q4 * 64 + d * 16, 16)
                    r0[n, sl] = r0[n, sl] + r1[n, sl]
                return carry2

            return lax.fori_loop(0, H // 64, col_body, carry)

        lax.fori_loop(0, SUB, token_body, 0)
        pltpu.sync_copy(r0, out_hbm.at[pl.ds(base + off, SUB)])


def _combine_sc(y, pos3):
    run = functools.partial(
        pl.kernel,
        out_type=jax.ShapeDtypeStruct((T, H), jnp.float32),
        mesh=plsc.VectorSubcoreMesh(core_axis_name="c", subcore_axis_name="s"),
        scratch_types=[
            pltpu.VMEM((SUB, H), jnp.float32),
            pltpu.VMEM((SUB, H), jnp.float32),
            pltpu.VMEM((SUB,), jnp.int32),
            pltpu.VMEM((SUB,), jnp.int32),
            pltpu.SemaphoreType.DMA,
            pltpu.SemaphoreType.DMA,
        ],
    )(_comb_body)
    return run(y, pos3)


def kernel(hidden_states, router_w, w1, w2):
    orig_shape = hidden_states.shape
    xf = hidden_states.reshape(-1, orig_shape[-1])
    rw_pad = jnp.zeros((EPAD, H), jnp.float32).at[:E].set(router_w)

    posc, wexpc, texp, tval = _run_meta(xf, rw_pad)

    pos3 = jnp.stack(
        [posc[:, 0].reshape(NW, CHUNK), posc[:, 1].reshape(NW, CHUNK)], axis=1
    )
    wexp = wexpc

    xs, gs = _dispatch_sc(xf, pos3, wexp)
    y = _run_ffn(texp, tval, xs, gs, w1, w2)
    out = _combine_sc(y, pos3)
    return out.reshape(orig_shape)

# --- scband reference (transcript-rebuilt; emitter-appended) ---
"""Pipeline reference for scband-mo-e-33045478375625 (READ-ONLY COPY).

The authoritative reference and input builder live on the scoring server;
editing this copy changes nothing except your own understanding.
"""

import jax, jax.numpy as jnp
import numpy as np

E = 8
K = 2
H = 1024
I = 2048

def _swiglu(x):
    u = x[..., 1::2]
    g = x[..., 0::2]
    return u * jax.nn.silu(g)

def setup_inputs(seed: int = 0) -> dict:
    key = jax.random.key(seed)
    k1, k2, k3, k4 = jax.random.split(key, 4)
    hidden_states = jax.random.normal(k1, (1, 2048, H), dtype=jnp.float32)
    router_w = jax.random.normal(k2, (E, H), dtype=jnp.float32) * 0.02
    w1 = jax.random.normal(k3, (E, 2 * I, H), dtype=jnp.float32) * 0.02
    w2 = jax.random.normal(k4, (E, H, I), dtype=jnp.float32) * 0.02
    return {"hidden_states": hidden_states, "router_w": router_w, "w1": w1, "w2": w2}

def reference(hidden_states, router_w, w1, w2):
    orig_shape = hidden_states.shape
    xf = hidden_states.reshape(-1, orig_shape[-1])
    T = xf.shape[0]
    # router (nn.Linear, no bias)
    logits = xf @ router_w.T
    probs = jax.nn.softmax(logits.astype(jnp.float32), axis=-1)
    topw, topi = jax.lax.top_k(probs, K)
    # scatter top-k gate values into dense [T, E] gate matrix (zeros elsewhere)
    gates = jnp.zeros((T, E), dtype=jnp.float32).at[jnp.arange(T)[:, None], topi].set(topw)
    # c_fc: per-expert up projection to 2*I (swiglu is a GLU variant)
    h = jnp.einsum('th,eoh->teo', xf, w1)
    a = _swiglu(h)
    # c_proj: per-expert down projection back to H
    y = jnp.einsum('tei,ehi->teh', a, w2)
    out = jnp.einsum('te,teh->th', gates, y)
    return out.reshape(orig_shape)

if __name__ == "__main__":
    import jax
    _d = setup_inputs()
    print(jax.jit(kernel)(*tuple(_d.values())))

</pallas_src>

<mosaic_0001>
#map = affine_map<(d0, d1) -> (0, 0)>
#map1 = affine_map<(d0, d1) -> (0, 0, 0)>
module attributes {stable_mosaic.version = 14 : i64} {
  func.func @_disp_body(%arg0: i32, %arg1: i32, %arg2: memref<2048x1024xf32, #tpu.memory_space<hbm>>, %arg3: memref<32x2x64xi32, #tpu.memory_space<hbm>>, %arg4: memref<4096x128xf32, #tpu.memory_space<hbm>>, %arg5: memref<5888x1024xf32, #tpu.memory_space<hbm>>, %arg6: memref<5888x128xf32, #tpu.memory_space<hbm>>, %arg7: memref<64x1024xf32, #tpu.memory_space<vmem>>, %arg8: memref<64x128xf32, #tpu.memory_space<vmem>>, %arg9: memref<64x128xf32, #tpu.memory_space<vmem>>, %arg10: memref<64xi32, #tpu.memory_space<vmem>>, %arg11: memref<64xi32, #tpu.memory_space<vmem>>, %arg12: memref<!tpu.dma_semaphore, #tpu.memory_space<semaphore_mem>>, %arg13: memref<!tpu.dma_semaphore, #tpu.memory_space<semaphore_mem>>, %arg14: memref<!tpu.dma_semaphore, #tpu.memory_space<semaphore_mem>>, %arg15: memref<!tpu.dma_semaphore, #tpu.memory_space<semaphore_mem>>) attributes {dimension_semantics = [#tpu.dimension_semantics<core_parallel>, #tpu.dimension_semantics<subcore_parallel>], iteration_bounds = array<i64: 2, 16>, scalar_prefetch = 0 : i64, scratch_operands = 9 : i64, tpu.core_type = #tpu.core_type<sc_vector_subcore>, window_params = [{transform_indices = #map}, {transform_indices = #map1}, {transform_indices = #map}, {transform_indices = #map}, {transform_indices = #map}]} {
    %mul3A = arith.constant 2 : i32
    %mul3A_0 = arith.muli %arg1, %mul3A : i32
    %add3A = arith.addi %mul3A_0, %arg0 : i32
    %mul3A_1 = arith.constant 64 : i32
    %mul3A_2 = arith.muli %add3A, %mul3A_1 : i32
    "tpu.region"() ({
      %run_scoped3A_28 = tpu.sem_alloc : memref<!tpu.dma_semaphore, #tpu.memory_space<semaphore_mem>>
      %dma_start3A_29 = arith.constant 0 : i32
      %dma_start3A_30 = tpu.memref_slice %arg2[%mul3A_2, %dma_start3A_29] : memref<2048x1024xf32, #tpu.memory_space<hbm>> -> memref<64x1024xf32, #tpu.memory_space<hbm>>
      %dma_start3A_31 = arith.constant 0 : i32
      %dma_start3A_32 = tpu.memref_slice %arg2[%mul3A_2, %dma_start3A_31] : memref<2048x1024xf32, #tpu.memory_space<hbm>> -> memref<64x1024xf32, #tpu.memory_space<hbm>>
      tpu.enqueue_dma source(%dma_start3A_32 : memref<64x1024xf32, #tpu.memory_space<hbm>>) target(%arg7 : memref<64x1024xf32, #tpu.memory_space<vmem>>) target_semaphore(%run_scoped3A_28 : memref<!tpu.dma_semaphore, #tpu.memory_space<semaphore_mem>>)
      %dma_wait3A_33 = arith.constant 0 : i32
      %dma_wait3A_34 = tpu.memref_slice %arg2[%mul3A_2, %dma_wait3A_33] : memref<2048x1024xf32, #tpu.memory_space<hbm>> -> memref<64x1024xf32, #tpu.memory_space<hbm>>
      %dma_wait3A_35 = arith.constant 0 : i32
      %dma_wait3A_36 = tpu.memref_slice %arg2[%mul3A_2, %dma_wait3A_35] : memref<2048x1024xf32, #tpu.memory_space<hbm>> -> memref<64x1024xf32, #tpu.memory_space<hbm>>
      tpu.wait_dma2 semaphore(%run_scoped3A_28 : memref<!tpu.dma_semaphore, #tpu.memory_space<semaphore_mem>>) src(%dma_wait3A_36 : memref<64x1024xf32, #tpu.memory_space<hbm>>) dst(%arg7 : memref<64x1024xf32, #tpu.memory_space<vmem>>)
      tpu.yield
    }) : () -> ()
    %run_scoped3A = arith.constant 0 : i32
    "tpu.region"() ({
      %run_scoped3A_28 = tpu.sem_alloc : memref<!tpu.dma_semaphore, #tpu.memory_space<semaphore_mem>>
      %dma_start3A_29 = arith.constant 0 : i32
      %dma_start3A_30 = tpu.memref_slice %arg3[%add3A, %run_scoped3A, %dma_start3A_29] : memref<32x2x64xi32, #tpu.memory_space<hbm>> -> memref<1x1x64xi32, #tpu.memory_space<hbm>>
      %dma_start3A_31 = tpu.memref_squeeze %dma_start3A_30 : memref<1x1x64xi32, #tpu.memory_space<hbm>> -> memref<64xi32, #tpu.memory_space<hbm>>
      %dma_start3A_32 = arith.constant 0 : i32
      %dma_start3A_33 = tpu.memref_slice %arg3[%add3A, %run_scoped3A, %dma_start3A_32] : memref<32x2x64xi32, #tpu.memory_space<hbm>> -> memref<1x1x64xi32, #tpu.memory_space<hbm>>
      %dma_start3A_34 = tpu.memref_squeeze %dma_start3A_33 : memref<1x1x64xi32, #tpu.memory_space<hbm>> -> memref<64xi32, #tpu.memory_space<hbm>>
      tpu.enqueue_dma source(%dma_start3A_34 : memref<64xi32, #tpu.memory_space<hbm>>) target(%arg10 : memref<64xi32, #tpu.memory_space<vmem>>) target_semaphore(%run_scoped3A_28 : memref<!tpu.dma_semaphore, #tpu.memory_space<semaphore_mem>>)
      %dma_wait3A_35 = arith.constant 0 : i32
      %dma_wait3A_36 = tpu.memref_slice %arg3[%add3A, %run_scoped3A, %dma_wait3A_35] : memref<32x2x64xi32, #tpu.memory_space<hbm>> -> memref<1x1x64xi32, #tpu.memory_space<hbm>>
      %dma_wait3A_37 = tpu.memref_squeeze %dma_wait3A_36 : memref<1x1x64xi32, #tpu.memory_space<hbm>> -> memref<64xi32, #tpu.memory_space<hbm>>
      %dma_wait3A_38 = arith.constant 0 : i32
      %dma_wait3A_39 = tpu.memref_slice %arg3[%add3A, %run_scoped3A, %dma_wait3A_38] : memref<32x2x64xi32, #tpu.memory_space<hbm>> -> memref<1x1x64xi32, #tpu.memory_space<hbm>>
      %dma_wait3A_40 = tpu.memref_squeeze %dma_wait3A_39 : memref<1x1x64xi32, #tpu.memory_space<hbm>> -> memref<64xi32, #tpu.memory_space<hbm>>
      tpu.wait_dma2 semaphore(%run_scoped3A_28 : memref<!tpu.dma_semaphore, #tpu.memory_space<semaphore_mem>>) src(%dma_wait3A_40 : memref<64xi32, #tpu.memory_space<hbm>>) dst(%arg10 : memref<64xi32, #tpu.memory_space<vmem>>)
      tpu.yield
    }) : () -> ()
    %run_scoped3A_3 = arith.constant 1 : i32
    "tpu.region"() ({
      %run_scoped3A_28 = tpu.sem_alloc : memref<!tpu.dma_semaphore, #tpu.memory_space<semaphore_mem>>
      %dma_start3A_29 = arith.constant 0 : i32
      %dma_start3A_30 = tpu.memref_slice %arg3[%add3A, %run_scoped3A_3, %dma_start3A_29] : memref<32x2x64xi32, #tpu.memory_space<hbm>> -> memref<1x1x64xi32, #tpu.memory_space<hbm>>
      %dma_start3A_31 = tpu.memref_squeeze %dma_start3A_30 : memref<1x1x64xi32, #tpu.memory_space<hbm>> -> memref<64xi32, #tpu.memory_space<hbm>>
      %dma_start3A_32 = arith.constant 0 : i32
      %dma_start3A_33 = tpu.memref_slice %arg3[%add3A, %run_scoped3A_3, %dma_start3A_32] : memref<32x2x64xi32, #tpu.memory_space<hbm>> -> memref<1x1x64xi32, #tpu.memory_space<hbm>>
      %dma_start3A_34 = tpu.memref_squeeze %dma_start3A_33 : memref<1x1x64xi32, #tpu.memory_space<hbm>> -> memref<64xi32, #tpu.memory_space<hbm>>
      tpu.enqueue_dma source(%dma_start3A_34 : memref<64xi32, #tpu.memory_space<hbm>>) target(%arg11 : memref<64xi32, #tpu.memory_space<vmem>>) target_semaphore(%run_scoped3A_28 : memref<!tpu.dma_semaphore, #tpu.memory_space<semaphore_mem>>)
      %dma_wait3A_35 = arith.constant 0 : i32
      %dma_wait3A_36 = tpu.memref_slice %arg3[%add3A, %run_scoped3A_3, %dma_wait3A_35] : memref<32x2x64xi32, #tpu.memory_space<hbm>> -> memref<1x1x64xi32, #tpu.memory_space<hbm>>
      %dma_wait3A_37 = tpu.memref_squeeze %dma_wait3A_36 : memref<1x1x64xi32, #tpu.memory_space<hbm>> -> memref<64xi32, #tpu.memory_space<hbm>>
      %dma_wait3A_38 = arith.constant 0 : i32
      %dma_wait3A_39 = tpu.memref_slice %arg3[%add3A, %run_scoped3A_3, %dma_wait3A_38] : memref<32x2x64xi32, #tpu.memory_space<hbm>> -> memref<1x1x64xi32, #tpu.memory_space<hbm>>
      %dma_wait3A_40 = tpu.memref_squeeze %dma_wait3A_39 : memref<1x1x64xi32, #tpu.memory_space<hbm>> -> memref<64xi32, #tpu.memory_space<hbm>>
      tpu.wait_dma2 semaphore(%run_scoped3A_28 : memref<!tpu.dma_semaphore, #tpu.memory_space<semaphore_mem>>) src(%dma_wait3A_40 : memref<64xi32, #tpu.memory_space<hbm>>) dst(%arg11 : memref<64xi32, #tpu.memory_space<vmem>>)
      tpu.yield
    }) : () -> ()
    "tpu.region"() ({
      %run_scoped3A_28 = tpu.sem_alloc : memref<!tpu.dma_semaphore, #tpu.memory_space<semaphore_mem>>
      %dma_start3A_29 = arith.constant 0 : i32
      %dma_start3A_30 = tpu.memref_slice %arg4[%mul3A_2, %dma_start3A_29] : memref<4096x128xf32, #tpu.memory_space<hbm>> -> memref<64x128xf32, #tpu.memory_space<hbm>>
      %dma_start3A_31 = arith.constant 0 : i32
      %dma_start3A_32 = tpu.memref_slice %arg4[%mul3A_2, %dma_start3A_31] : memref<4096x128xf32, #tpu.memory_space<hbm>> -> memref<64x128xf32, #tpu.memory_space<hbm>>
      tpu.enqueue_dma source(%dma_start3A_32 : memref<64x128xf32, #tpu.memory_space<hbm>>) target(%arg8 : memref<64x128xf32, #tpu.memory_space<vmem>>) target_semaphore(%run_scoped3A_28 : memref<!tpu.dma_semaphore, #tpu.memory_space<semaphore_mem>>)
      %dma_wait3A_33 = arith.constant 0 : i32
      %dma_wait3A_34 = tpu.memref_slice %arg4[%mul3A_2, %dma_wait3A_33] : memref<4096x128xf32, #tpu.memory_space<hbm>> -> memref<64x128xf32, #tpu.memory_space<hbm>>
      %dma_wait3A_35 = arith.constant 0 : i32
      %dma_wait3A_36 = tpu.memref_slice %arg4[%mul3A_2, %dma_wait3A_35] : memref<4096x128xf32, #tpu.memory_space<hbm>> -> memref<64x128xf32, #tpu.memory_space<hbm>>
      tpu.wait_dma2 semaphore(%run_scoped3A_28 : memref<!tpu.dma_semaphore, #tpu.memory_space<semaphore_mem>>) src(%dma_wait3A_36 : memref<64x128xf32, #tpu.memory_space<hbm>>) dst(%arg8 : memref<64x128xf32, #tpu.memory_space<vmem>>)
      tpu.yield
    }) : () -> ()
    %add3A_4 = arith.constant 2048 : i32
    %add3A_5 = arith.addi %add3A_4, %mul3A_2 : i32
    "tpu.region"() ({
      %run_scoped3A_28 = tpu.sem_alloc : memref<!tpu.dma_semaphore, #tpu.memory_space<semaphore_mem>>
      %dma_start3A_29 = arith.constant 0 : i32
      %dma_start3A_30 = tpu.memref_slice %arg4[%add3A_5, %dma_start3A_29] : memref<4096x128xf32, #tpu.memory_space<hbm>> -> memref<64x128xf32, #tpu.memory_space<hbm>>
      %dma_start3A_31 = arith.constant 0 : i32
      %dma_start3A_32 = tpu.memref_slice %arg4[%add3A_5, %dma_start3A_31] : memref<4096x128xf32, #tpu.memory_space<hbm>> -> memref<64x128xf32, #tpu.memory_space<hbm>>
      tpu.enqueue_dma source(%dma_start3A_32 : memref<64x128xf32, #tpu.memory_space<hbm>>) target(%arg9 : memref<64x128xf32, #tpu.memory_space<vmem>>) target_semaphore(%run_scoped3A_28 : memref<!tpu.dma_semaphore, #tpu.memory_space<semaphore_mem>>)
      %dma_wait3A_33 = arith.constant 0 : i32
      %dma_wait3A_34 = tpu.memref_slice %arg4[%add3A_5, %dma_wait3A_33] : memref<4096x128xf32, #tpu.memory_space<hbm>> -> memref<64x128xf32, #tpu.memory_space<hbm>>
      %dma_wait3A_35 = arith.constant 0 : i32
      %dma_wait3A_36 = tpu.memref_slice %arg4[%add3A_5, %dma_wait3A_35] : memref<4096x128xf32, #tpu.memory_space<hbm>> -> memref<64x128xf32, #tpu.memory_space<hbm>>
      tpu.wait_dma2 semaphore(%run_scoped3A_28 : memref<!tpu.dma_semaphore, #tpu.memory_space<semaphore_mem>>) src(%dma_wait3A_36 : memref<64x128xf32, #tpu.memory_space<hbm>>) dst(%arg9 : memref<64x128xf32, #tpu.memory_space<vmem>>)
      tpu.yield
    }) : () -> ()
    %dma_start3A = arith.constant 0 : i32
    %dma_start3A_6 = arith.constant 0 : i32
    %dma_start3A_7 = tpu.memref_slice %arg5[%dma_start3A, %dma_start3A_6] : memref<5888x1024xf32, #tpu.memory_space<hbm>> -> memref<5888x1024xf32, #tpu.memory_space<hbm>>
    tpu.enqueue_indirect_dma source(%arg7 : memref<64x1024xf32, #tpu.memory_space<vmem>>) target(%dma_start3A_7 : memref<5888x1024xf32, #tpu.memory_space<hbm>>) offsets(%arg10 : memref<64xi32, #tpu.memory_space<vmem>>) semaphore(%arg12 : memref<!tpu.dma_semaphore, #tpu.memory_space<semaphore_mem>>)
    %dma_start3A_8 = arith.constant 0 : i32
    %dma_start3A_9 = arith.constant 0 : i32
    %dma_start3A_10 = tpu.memref_slice %arg5[%dma_start3A_8, %dma_start3A_9] : memref<5888x1024xf32, #tpu.memory_space<hbm>> -> memref<5888x1024xf32, #tpu.memory_space<hbm>>
    tpu.enqueue_indirect_dma source(%arg7 : memref<64x1024xf32, #tpu.memory_space<vmem>>) target(%dma_start3A_10 : memref<5888x1024xf32, #tpu.memory_space<hbm>>) offsets(%arg11 : memref<64xi32, #tpu.memory_space<vmem>>) semaphore(%arg13 : memref<!tpu.dma_semaphore, #tpu.memory_space<semaphore_mem>>)
    %dma_start3A_11 = arith.constant 0 : i32
    %dma_start3A_12 = arith.constant 0 : i32
    %dma_start3A_13 = tpu.memref_slice %arg6[%dma_start3A_11, %dma_start3A_12] : memref<5888x128xf32, #tpu.memory_space<hbm>> -> memref<5888x128xf32, #tpu.memory_space<hbm>>
    tpu.enqueue_indirect_dma source(%arg8 : memref<64x128xf32, #tpu.memory_space<vmem>>) target(%dma_start3A_13 : memref<5888x128xf32, #tpu.memory_space<hbm>>) offsets(%arg10 : memref<64xi32, #tpu.memory_space<vmem>>) semaphore(%arg14 : memref<!tpu.dma_semaphore, #tpu.memory_space<semaphore_mem>>)
    %dma_start3A_14 = arith.constant 0 : i32
    %dma_start3A_15 = arith.constant 0 : i32
    %dma_start3A_16 = tpu.memref_slice %arg6[%dma_start3A_14, %dma_start3A_15] : memref<5888x128xf32, #tpu.memory_space<hbm>> -> memref<5888x128xf32, #tpu.memory_space<hbm>>
    tpu.enqueue_indirect_dma source(%arg9 : memref<64x128xf32, #tpu.memory_space<vmem>>) target(%dma_start3A_16 : memref<5888x128xf32, #tpu.memory_space<hbm>>) offsets(%arg11 : memref<64xi32, #tpu.memory_space<vmem>>) semaphore(%arg15 : memref<!tpu.dma_semaphore, #tpu.memory_space<semaphore_mem>>)
    %dma_wait3A = arith.constant 0 : i32
    %dma_wait3A_17 = arith.constant 0 : i32
    %dma_wait3A_18 = tpu.memref_slice %arg5[%dma_wait3A, %dma_wait3A_17] : memref<5888x1024xf32, #tpu.memory_space<hbm>> -> memref<5888x1024xf32, #tpu.memory_space<hbm>>
    tpu.wait_indirect_dma semaphore(%arg12 : memref<!tpu.dma_semaphore, #tpu.memory_space<semaphore_mem>>) src(%arg7 : memref<64x1024xf32, #tpu.memory_space<vmem>>) dst(%dma_wait3A_18 : memref<5888x1024xf32, #tpu.memory_space<hbm>>)
    %dma_wait3A_19 = arith.constant 0 : i32
    %dma_wait3A_20 = arith.constant 0 : i32
    %dma_wait3A_21 = tpu.memref_slice %arg5[%dma_wait3A_19, %dma_wait3A_20] : memref<5888x1024xf32, #tpu.memory_space<hbm>> -> memref<5888x1024xf32, #tpu.memory_space<hbm>>
    tpu.wait_indirect_dma semaphore(%arg13 : memref<!tpu.dma_semaphore, #tpu.memory_space<semaphore_mem>>) src(%arg7 : memref<64x1024xf32, #tpu.memory_space<vmem>>) dst(%dma_wait3A_21 : memref<5888x1024xf32, #tpu.memory_space<hbm>>)
    %dma_wait3A_22 = arith.constant 0 : i32
    %dma_wait3A_23 = arith.constant 0 : i32
    %dma_wait3A_24 = tpu.memref_slice %arg6[%dma_wait3A_22, %dma_wait3A_23] : memref<5888x128xf32, #tpu.memory_space<hbm>> -> memref<5888x128xf32, #tpu.memory_space<hbm>>
    tpu.wait_indirect_dma semaphore(%arg14 : memref<!tpu.dma_semaphore, #tpu.memory_space<semaphore_mem>>) src(%arg8 : memref<64x128xf32, #tpu.memory_space<vmem>>) dst(%dma_wait3A_24 : memref<5888x128xf32, #tpu.memory_space<hbm>>)
    %dma_wait3A_25 = arith.constant 0 : i32
    %dma_wait3A_26 = arith.constant 0 : i32
    %dma_wait3A_27 = tpu.memref_slice %arg6[%dma_wait3A_25, %dma_wait3A_26] : memref<5888x128xf32, #tpu.memory_space<hbm>> -> memref<5888x128xf32, #tpu.memory_space<hbm>>
    tpu.wait_indirect_dma semaphore(%arg15 : memref<!tpu.dma_semaphore, #tpu.memory_space<semaphore_mem>>) src(%arg9 : memref<64x128xf32, #tpu.memory_space<vmem>>) dst(%dma_wait3A_27 : memref<5888x128xf32, #tpu.memory_space<hbm>>)
    return
  }
}

#map = affine_map<(d0, d1) -> (0, 0)>
#map1 = affine_map<(d0, d1) -> (0, 0, 0)>
module attributes {stable_mosaic.version = 14 : i64} {
  func.func @_comb_body(%arg0: i32, %arg1: i32, %arg2: memref<5888x1024xf32, #tpu.memory_space<hbm>>, %arg3: memref<32x2x64xi32, #tpu.memory_space<hbm>>, %arg4: memref<2048x1024xf32, #tpu.memory_space<hbm>>, %arg5: memref<32x1024xf32, #tpu.memory_space<vmem>>, %arg6: memref<32x1024xf32, #tpu.memory_space<vmem>>, %arg7: memref<32xi32, #tpu.memory_space<vmem>>, %arg8: memref<32xi32, #tpu.memory_space<vmem>>, %arg9: memref<!tpu.dma_semaphore, #tpu.memory_space<semaphore_mem>>, %arg10: memref<!tpu.dma_semaphore, #tpu.memory_space<semaphore_mem>>) attributes {dimension_semantics = [#tpu.dimension_semantics<core_parallel>, #tpu.dimension_semantics<subcore_parallel>], iteration_bounds = array<i64: 2, 16>, scalar_prefetch = 0 : i64, scratch_operands = 6 : i64, tpu.core_type = #tpu.core_type<sc_vector_subcore>, window_params = [{transform_indices = #map}, {transform_indices = #map1}, {transform_indices = #map}]} {
    %mul3A = arith.constant 2 : i32
    %mul3A_0 = arith.muli %arg1, %mul3A : i32
    %add3A = arith.addi %mul3A_0, %arg0 : i32
    %mul3A_1 = arith.constant 64 : i32
    %mul3A_2 = arith.muli %add3A, %mul3A_1 : i32
    %run_scoped3A = arith.constant 0 : i32
    "tpu.region"() ({
      %run_scoped3A_43 = tpu.sem_alloc : memref<!tpu.dma_semaphore, #tpu.memory_space<semaphore_mem>>
      %dma_start3A_44 = arith.constant 0 : i32
      %dma_start3A_45 = tpu.memref_slice %arg3[%add3A, %run_scoped3A, %dma_start3A_44] : memref<32x2x64xi32, #tpu.memory_space<hbm>> -> memref<1x1x32xi32, #tpu.memory_space<hbm>>
      %dma_start3A_46 = tpu.memref_squeeze %dma_start3A_45 : memref<1x1x32xi32, #tpu.memory_space<hbm>> -> memref<32xi32, #tpu.memory_space<hbm>>
      %dma_start3A_47 = arith.constant 0 : i32
      %dma_start3A_48 = tpu.memref_slice %arg3[%add3A, %run_scoped3A, %dma_start3A_47] : memref<32x2x64xi32, #tpu.memory_space<hbm>> -> memref<1x1x32xi32, #tpu.memory_space<hbm>>
      %dma_start3A_49 = tpu.memref_squeeze %dma_start3A_48 : memref<1x1x32xi32, #tpu.memory_space<hbm>> -> memref<32xi32, #tpu.memory_space<hbm>>
      tpu.enqueue_dma source(%dma_start3A_49 : memref<32xi32, #tpu.memory_space<hbm>>) target(%arg7 : memref<32xi32, #tpu.memory_space<vmem>>) target_semaphore(%run_scoped3A_43 : memref<!tpu.dma_semaphore, #tpu.memory_space<semaphore_mem>>)
      %dma_wait3A_50 = arith.constant 0 : i32
      %dma_wait3A_51 = tpu.memref_slice %arg3[%add3A, %run_scoped3A, %dma_wait3A_50] : memref<32x2x64xi32, #tpu.memory_space<hbm>> -> memref<1x1x32xi32, #tpu.memory_space<hbm>>
      %dma_wait3A_52 = tpu.memref_squeeze %dma_wait3A_51 : memref<1x1x32xi32, #tpu.memory_space<hbm>> -> memref<32xi32, #tpu.memory_space<hbm>>
      %dma_wait3A_53 = arith.constant 0 : i32
      %dma_wait3A_54 = tpu.memref_slice %arg3[%add3A, %run_scoped3A, %dma_wait3A_53] : memref<32x2x64xi32, #tpu.memory_space<hbm>> -> memref<1x1x32xi32, #tpu.memory_space<hbm>>
      %dma_wait3A_55 = tpu.memref_squeeze %dma_wait3A_54 : memref<1x1x32xi32, #tpu.memory_space<hbm>> -> memref<32xi32, #tpu.memory_space<hbm>>
      tpu.wait_dma2 semaphore(%run_scoped3A_43 : memref<!tpu.dma_semaphore, #tpu.memory_space<semaphore_mem>>) src(%dma_wait3A_55 : memref<32xi32, #tpu.memory_space<hbm>>) dst(%arg7 : memref<32xi32, #tpu.memory_space<vmem>>)
      tpu.yield
    }) : () -> ()
    %run_scoped3A_3 = arith.constant 1 : i32
    "tpu.region"() ({
      %run_scoped3A_43 = tpu.sem_alloc : memref<!tpu.dma_semaphore, #tpu.memory_space<semaphore_mem>>
      %dma_start3A_44 = arith.constant 0 : i32
      %dma_start3A_45 = tpu.memref_slice %arg3[%add3A, %run_scoped3A_3, %dma_start3A_44] : memref<32x2x64xi32, #tpu.memory_space<hbm>> -> memref<1x1x32xi32, #tpu.memory_space<hbm>>
      %dma_start3A_46 = tpu.memref_squeeze %dma_start3A_45 : memref<1x1x32xi32, #tpu.memory_space<hbm>> -> memref<32xi32, #tpu.memory_space<hbm>>
      %dma_start3A_47 = arith.constant 0 : i32
      %dma_start3A_48 = tpu.memref_slice %arg3[%add3A, %run_scoped3A_3, %dma_start3A_47] : memref<32x2x64xi32, #tpu.memory_space<hbm>> -> memref<1x1x32xi32, #tpu.memory_space<hbm>>
      %dma_start3A_49 = tpu.memref_squeeze %dma_start3A_48 : memref<1x1x32xi32, #tpu.memory_space<hbm>> -> memref<32xi32, #tpu.memory_space<hbm>>
      tpu.enqueue_dma source(%dma_start3A_49 : memref<32xi32, #tpu.memory_space<hbm>>) target(%arg8 : memref<32xi32, #tpu.memory_space<vmem>>) target_semaphore(%run_scoped3A_43 : memref<!tpu.dma_semaphore, #tpu.memory_space<semaphore_mem>>)
      %dma_wait3A_50 = arith.constant 0 : i32
      %dma_wait3A_51 = tpu.memref_slice %arg3[%add3A, %run_scoped3A_3, %dma_wait3A_50] : memref<32x2x64xi32, #tpu.memory_space<hbm>> -> memref<1x1x32xi32, #tpu.memory_space<hbm>>
      %dma_wait3A_52 = tpu.memref_squeeze %dma_wait3A_51 : memref<1x1x32xi32, #tpu.memory_space<hbm>> -> memref<32xi32, #tpu.memory_space<hbm>>
      %dma_wait3A_53 = arith.constant 0 : i32
      %dma_wait3A_54 = tpu.memref_slice %arg3[%add3A, %run_scoped3A_3, %dma_wait3A_53] : memref<32x2x64xi32, #tpu.memory_space<hbm>> -> memref<1x1x32xi32, #tpu.memory_space<hbm>>
      %dma_wait3A_55 = tpu.memref_squeeze %dma_wait3A_54 : memref<1x1x32xi32, #tpu.memory_space<hbm>> -> memref<32xi32, #tpu.memory_space<hbm>>
      tpu.wait_dma2 semaphore(%run_scoped3A_43 : memref<!tpu.dma_semaphore, #tpu.memory_space<semaphore_mem>>) src(%dma_wait3A_55 : memref<32xi32, #tpu.memory_space<hbm>>) dst(%arg8 : memref<32xi32, #tpu.memory_space<vmem>>)
      tpu.yield
    }) : () -> ()
    %dma_start3A = arith.constant 0 : i32
    %dma_start3A_4 = arith.constant 0 : i32
    %dma_start3A_5 = tpu.memref_slice %arg2[%dma_start3A, %dma_start3A_4] : memref<5888x1024xf32, #tpu.memory_space<hbm>> -> memref<5888x1024xf32, #tpu.memory_space<hbm>>
    tpu.enqueue_indirect_dma source(%dma_start3A_5 : memref<5888x1024xf32, #tpu.memory_space<hbm>>) target(%arg5 : memref<32x1024xf32, #tpu.memory_space<vmem>>) offsets(%arg7 : memref<32xi32, #tpu.memory_space<vmem>>) semaphore(%arg9 : memref<!tpu.dma_semaphore, #tpu.memory_space<semaphore_mem>>)
    %dma_start3A_6 = arith.constant 0 : i32
    %dma_start3A_7 = arith.constant 0 : i32
    %dma_start3A_8 = tpu.memref_slice %arg2[%dma_start3A_6, %dma_start3A_7] : memref<5888x1024xf32, #tpu.memory_space<hbm>> -> memref<5888x1024xf32, #tpu.memory_space<hbm>>
    tpu.enqueue_indirect_dma source(%dma_start3A_8 : memref<5888x1024xf32, #tpu.memory_space<hbm>>) target(%arg6 : memref<32x1024xf32, #tpu.memory_space<vmem>>) offsets(%arg8 : memref<32xi32, #tpu.memory_space<vmem>>) semaphore(%arg10 : memref<!tpu.dma_semaphore, #tpu.memory_space<semaphore_mem>>)
    %dma_wait3A = arith.constant 0 : i32
    %dma_wait3A_9 = arith.constant 0 : i32
    %dma_wait3A_10 = tpu.memref_slice %arg2[%dma_wait3A, %dma_wait3A_9] : memref<5888x1024xf32, #tpu.memory_space<hbm>> -> memref<5888x1024xf32, #tpu.memory_space<hbm>>
    tpu.wait_indirect_dma semaphore(%arg9 : memref<!tpu.dma_semaphore, #tpu.memory_space<semaphore_mem>>) src(%dma_wait3A_10 : memref<5888x1024xf32, #tpu.memory_space<hbm>>) dst(%arg5 : memref<32x1024xf32, #tpu.memory_space<vmem>>)
    %dma_wait3A_11 = arith.constant 0 : i32
    %dma_wait3A_12 = arith.constant 0 : i32
    %dma_wait3A_13 = tpu.memref_slice %arg2[%dma_wait3A_11, %dma_wait3A_12] : memref<5888x1024xf32, #tpu.memory_space<hbm>> -> memref<5888x1024xf32, #tpu.memory_space<hbm>>
    tpu.wait_indirect_dma semaphore(%arg10 : memref<!tpu.dma_semaphore, #tpu.memory_space<semaphore_mem>>) src(%dma_wait3A_13 : memref<5888x1024xf32, #tpu.memory_space<hbm>>) dst(%arg6 : memref<32x1024xf32, #tpu.memory_space<vmem>>)
    %scan3A = arith.constant 0 : i32
    %scan3A_14 = arith.constant 0 : i32
    %scan3A_15 = arith.constant 32 : i32
    %scan3A_16 = arith.addi %scan3A_14, %scan3A_15 : i32
    %scan3A_17 = arith.constant 1 : i32
    scf.for %scan3A_43 = %scan3A_14 to %scan3A_16 step %scan3A_17  : i32 {
      %scan3A_44 = arith.constant 0 : i32
      %scan3A_45 = arith.constant 16 : i32
      %scan3A_46 = arith.addi %scan3A_44, %scan3A_45 : i32
      %scan3A_47 = arith.constant 1 : i32
      scf.for %scan3A_49 = %scan3A_44 to %scan3A_46 step %scan3A_47  : i32 {
        %mul3A_50 = arith.constant 64 : i32
        %mul3A_51 = arith.muli %scan3A_49, %mul3A_50 : i32
        %add3A_52 = arith.constant 0 : i32
        %add3A_53 = arith.addi %mul3A_51, %add3A_52 : i32
        %get3A = arith.index_cast %scan3A_43 : i32 to index
        %get3A_54 = arith.index_cast %add3A_53 : i32 to index
        %get3A_55 = tpu.vector_load %arg5[%get3A, %get3A_54] {strides = array<i32>} : memref<32x1024xf32, #tpu.memory_space<vmem>>, vector<1x16xf32>,
        %get3A_56 = vector.shape_cast %get3A_55 : vector<1x16xf32> to vector<16xf32>
        %get3A_57 = arith.index_cast %scan3A_43 : i32 to index
        %get3A_58 = arith.index_cast %add3A_53 : i32 to index
        %get3A_59 = tpu.vector_load %arg6[%get3A_57, %get3A_58] {strides = array<i32>} : memref<32x1024xf32, #tpu.memory_space<vmem>>, vector<1x16xf32>,
        %get3A_60 = vector.shape_cast %get3A_59 : vector<1x16xf32> to vector<16xf32>
        %add3A_61 = arith.addf %get3A_56, %get3A_60 : vector<16xf32>
        %swap3A = arith.index_cast %scan3A_43 : i32 to index
        %swap3A_62 = arith.index_cast %add3A_53 : i32 to index
        %swap3A_63 = tpu.vector_load %arg5[%swap3A, %swap3A_62] {strides = array<i32>} : memref<32x1024xf32, #tpu.memory_space<vmem>>, vector<1x16xf32>,
        %swap3A_64 = vector.shape_cast %swap3A_63 : vector<1x16xf32> to vector<16xf32>
        %swap3A_65 = vector.shape_cast %add3A_61 : vector<16xf32> to vector<1x16xf32>
        tpu.vector_store %arg5[%swap3A, %swap3A_62], %swap3A_65 {strides = array<i32>} : memref<32x1024xf32, #tpu.memory_space<vmem>>, vector<1x16xf32>,
        %mul3A_66 = arith.constant 64 : i32
        %mul3A_67 = arith.muli %scan3A_49, %mul3A_66 : i32
        %add3A_68 = arith.constant 16 : i32
        %add3A_69 = arith.addi %mul3A_67, %add3A_68 : i32
        %get3A_70 = arith.index_cast %scan3A_43 : i32 to index
        %get3A_71 = arith.index_cast %add3A_69 : i32 to index
        %get3A_72 = tpu.vector_load %arg5[%get3A_70, %get3A_71] {strides = array<i32>} : memref<32x1024xf32, #tpu.memory_space<vmem>>, vector<1x16xf32>,
        %get3A_73 = vector.shape_cast %get3A_72 : vector<1x16xf32> to vector<16xf32>
        %get3A_74 = arith.index_cast %scan3A_43 : i32 to index
        %get3A_75 = arith.index_cast %add3A_69 : i32 to index
        %get3A_76 = tpu.vector_load %arg6[%get3A_74, %get3A_75] {strides = array<i32>} : memref<32x1024xf32, #tpu.memory_space<vmem>>, vector<1x16xf32>,
        %get3A_77 = vector.shape_cast %get3A_76 : vector<1x16xf32> to vector<16xf32>
        %add3A_78 = arith.addf %get3A_73, %get3A_77 : vector<16xf32>
        %swap3A_79 = arith.index_cast %scan3A_43 : i32 to index
        %swap3A_80 = arith.index_cast %add3A_69 : i32 to index
        %swap3A_81 = tpu.vector_load %arg5[%swap3A_79, %swap3A_80] {strides = array<i32>} : memref<32x1024xf32, #tpu.memory_space<vmem>>, vector<1x16xf32>,
        %swap3A_82 = vector.shape_cast %swap3A_81 : vector<1x16xf32> to vector<16xf32>
        %swap3A_83 = vector.shape_cast %add3A_78 : vector<16xf32> to vector<1x16xf32>
        tpu.vector_store %arg5[%swap3A_79, %swap3A_80], %swap3A_83 {strides = array<i32>} : memref<32x1024xf32, #tpu.memory_space<vmem>>, vector<1x16xf32>,
        %mul3A_84 = arith.constant 64 : i32
        %mul3A_85 = arith.muli %scan3A_49, %mul3A_84 : i32
        %add3A_86 = arith.constant 32 : i32
        %add3A_87 = arith.addi %mul3A_85, %add3A_86 : i32
        %get3A_88 = arith.index_cast %scan3A_43 : i32 to index
        %get3A_89 = arith.index_cast %add3A_87 : i32 to index
        %get3A_90 = tpu.vector_load %arg5[%get3A_88, %get3A_89] {strides = array<i32>} : memref<32x1024xf32, #tpu.memory_space<vmem>>, vector<1x16xf32>,
        %get3A_91 = vector.shape_cast %get3A_90 : vector<1x16xf32> to vector<16xf32>
        %get3A_92 = arith.index_cast %scan3A_43 : i32 to index
        %get3A_93 = arith.index_cast %add3A_87 : i32 to index
        %get3A_94 = tpu.vector_load %arg6[%get3A_92, %get3A_93] {strides = array<i32>} : memref<32x1024xf32, #tpu.memory_space<vmem>>, vector<1x16xf32>,
        %get3A_95 = vector.shape_cast %get3A_94 : vector<1x16xf32> to vector<16xf32>
        %add3A_96 = arith.addf %get3A_91, %get3A_95 : vector<16xf32>
        %swap3A_97 = arith.index_cast %scan3A_43 : i32 to index
        %swap3A_98 = arith.index_cast %add3A_87 : i32 to index
        %swap3A_99 = tpu.vector_load %arg5[%swap3A_97, %swap3A_98] {strides = array<i32>} : memref<32x1024xf32, #tpu.memory_space<vmem>>, vector<1x16xf32>,
        %swap3A_100 = vector.shape_cast %swap3A_99 : vector<1x16xf32> to vector<16xf32>
        %swap3A_101 = vector.shape_cast %add3A_96 : vector<16xf32> to vector<1x16xf32>
        tpu.vector_store %arg5[%swap3A_97, %swap3A_98], %swap3A_101 {strides = array<i32>} : memref<32x1024xf32, #tpu.memory_space<vmem>>, vector<1x16xf32>,
        %mul3A_102 = arith.constant 64 : i32
        %mul3A_103 = arith.muli %scan3A_49, %mul3A_102 : i32
        %add3A_104 = arith.constant 48 : i32
        %add3A_105 = arith.addi %mul3A_103, %add3A_104 : i32
        %get3A_106 = arith.index_cast %scan3A_43 : i32 to index
        %get3A_107 = arith.index_cast %add3A_105 : i32 to index
        %get3A_108 = tpu.vector_load %arg5[%get3A_106, %get3A_107] {strides = array<i32>} : memref<32x1024xf32, #tpu.memory_space<vmem>>, vector<1x16xf32>,
        %get3A_109 = vector.shape_cast %get3A_108 : vector<1x16xf32> to vector<16xf32>
        %get3A_110 = arith.index_cast %scan3A_43 : i32 to index
        %get3A_111 = arith.index_cast %add3A_105 : i32 to index
        %get3A_112 = tpu.vector_load %arg6[%get3A_110, %get3A_111] {strides = array<i32>} : memref<32x1024xf32, #tpu.memory_space<vmem>>, vector<1x16xf32>,
        %get3A_113 = vector.shape_cast %get3A_112 : vector<1x16xf32> to vector<16xf32>
        %add3A_114 = arith.addf %get3A_109, %get3A_113 : vector<16xf32>
        %swap3A_115 = arith.index_cast %scan3A_43 : i32 to index
        %swap3A_116 = arith.index_cast %add3A_105 : i32 to index
        %swap3A_117 = tpu.vector_load %arg5[%swap3A_115, %swap3A_116] {strides = array<i32>} : memref<32x1024xf32, #tpu.memory_space<vmem>>, vector<1x16xf32>,
        %swap3A_118 = vector.shape_cast %swap3A_117 : vector<1x16xf32> to vector<16xf32>
        %swap3A_119 = vector.shape_cast %add3A_114 : vector<16xf32> to vector<1x16xf32>
        tpu.vector_store %arg5[%swap3A_115, %swap3A_116], %swap3A_119 {strides = array<i32>} : memref<32x1024xf32, #tpu.memory_space<vmem>>, vector<1x16xf32>,
      }
      %scan3A_48 = arith.constant 16 : i32
    }
    %scan3A_18 = arith.constant 32 : i32
    %add3A_19 = arith.constant 0 : i32
    %add3A_20 = arith.addi %mul3A_2, %add3A_19 : i32
    "tpu.region"() ({
      %run_scoped3A_43 = tpu.sem_alloc : memref<!tpu.dma_semaphore, #tpu.memory_space<semaphore_mem>>
      %dma_start3A_44 = arith.constant 0 : i32
      %dma_start3A_45 = tpu.memref_slice %arg4[%add3A_20, %dma_start3A_44] : memref<2048x1024xf32, #tpu.memory_space<hbm>> -> memref<32x1024xf32, #tpu.memory_space<hbm>>
      %dma_start3A_46 = arith.constant 0 : i32
      %dma_start3A_47 = tpu.memref_slice %arg4[%add3A_20, %dma_start3A_46] : memref<2048x1024xf32, #tpu.memory_space<hbm>> -> memref<32x1024xf32, #tpu.memory_space<hbm>>
      tpu.enqueue_dma source(%arg5 : memref<32x1024xf32, #tpu.memory_space<vmem>>) target(%dma_start3A_47 : memref<32x1024xf32, #tpu.memory_space<hbm>>) target_semaphore(%run_scoped3A_43 : memref<!tpu.dma_semaphore, #tpu.memory_space<semaphore_mem>>)
      %dma_wait3A_48 = arith.constant 0 : i32
      %dma_wait3A_49 = tpu.memref_slice %arg4[%add3A_20, %dma_wait3A_48] : memref<2048x1024xf32, #tpu.memory_space<hbm>> -> memref<32x1024xf32, #tpu.memory_space<hbm>>
      %dma_wait3A_50 = arith.constant 0 : i32
      %dma_wait3A_51 = tpu.memref_slice %arg4[%add3A_20, %dma_wait3A_50] : memref<2048x1024xf32, #tpu.memory_space<hbm>> -> memref<32x1024xf32, #tpu.memory_space<hbm>>
      tpu.wait_dma2 semaphore(%run_scoped3A_43 : memref<!tpu.dma_semaphore, #tpu.memory_space<semaphore_mem>>) src(%arg5 : memref<32x1024xf32, #tpu.memory_space<vmem>>) dst(%dma_wait3A_51 : memref<32x1024xf32, #tpu.memory_space<hbm>>)
      tpu.yield
    }) : () -> ()
    %run_scoped3A_21 = arith.constant 0 : i32
    "tpu.region"() ({
      %run_scoped3A_43 = tpu.sem_alloc : memref<!tpu.dma_semaphore, #tpu.memory_space<semaphore_mem>>
      %dma_start3A_44 = arith.constant 32 : i32
      %dma_start3A_45 = tpu.memref_slice %arg3[%add3A, %run_scoped3A_21, %dma_start3A_44] : memref<32x2x64xi32, #tpu.memory_space<hbm>> -> memref<1x1x32xi32, #tpu.memory_space<hbm>>
      %dma_start3A_46 = tpu.memref_squeeze %dma_start3A_45 : memref<1x1x32xi32, #tpu.memory_space<hbm>> -> memref<32xi32, #tpu.memory_space<hbm>>
      %dma_start3A_47 = arith.constant 32 : i32
      %dma_start3A_48 = tpu.memref_slice %arg3[%add3A, %run_scoped3A_21, %dma_start3A_47] : memref<32x2x64xi32, #tpu.memory_space<hbm>> -> memref<1x1x32xi32, #tpu.memory_space<hbm>>
      %dma_start3A_49 = tpu.memref_squeeze %dma_start3A_48 : memref<1x1x32xi32, #tpu.memory_space<hbm>> -> memref<32xi32, #tpu.memory_space<hbm>>
      tpu.enqueue_dma source(%dma_start3A_49 : memref<32xi32, #tpu.memory_space<hbm>>) target(%arg7 : memref<32xi32, #tpu.memory_space<vmem>>) target_semaphore(%run_scoped3A_43 : memref<!tpu.dma_semaphore, #tpu.memory_space<semaphore_mem>>)
      %dma_wait3A_50 = arith.constant 32 : i32
      %dma_wait3A_51 = tpu.memref_slice %arg3[%add3A, %run_scoped3A_21, %dma_wait3A_50] : memref<32x2x64xi32, #tpu.memory_space<hbm>> -> memref<1x1x32xi32, #tpu.memory_space<hbm>>
      %dma_wait3A_52 = tpu.memref_squeeze %dma_wait3A_51 : memref<1x1x32xi32, #tpu.memory_space<hbm>> -> memref<32xi32, #tpu.memory_space<hbm>>
      %dma_wait3A_53 = arith.constant 32 : i32
      %dma_wait3A_54 = tpu.memref_slice %arg3[%add3A, %run_scoped3A_21, %dma_wait3A_53] : memref<32x2x64xi32, #tpu.memory_space<hbm>> -> memref<1x1x32xi32, #tpu.memory_space<hbm>>
      %dma_wait3A_55 = tpu.memref_squeeze %dma_wait3A_54 : memref<1x1x32xi32, #tpu.memory_space<hbm>> -> memref<32xi32, #tpu.memory_space<hbm>>
      tpu.wait_dma2 semaphore(%run_scoped3A_43 : memref<!tpu.dma_semaphore, #tpu.memory_space<semaphore_mem>>) src(%dma_wait3A_55 : memref<32xi32, #tpu.memory_space<hbm>>) dst(%arg7 : memref<32xi32, #tpu.memory_space<vmem>>)
      tpu.yield
    }) : () -> ()
    %run_scoped3A_22 = arith.constant 1 : i32
    "tpu.region"() ({
      %run_scoped3A_43 = tpu.sem_alloc : memref<!tpu.dma_semaphore, #tpu.memory_space<semaphore_mem>>
      %dma_start3A_44 = arith.constant 32 : i32
      %dma_start3A_45 = tpu.memref_slice %arg3[%add3A, %run_scoped3A_22, %dma_start3A_44] : memref<32x2x64xi32, #tpu.memory_space<hbm>> -> memref<1x1x32xi32, #tpu.memory_space<hbm>>
      %dma_start3A_46 = tpu.memref_squeeze %dma_start3A_45 : memref<1x1x32xi32, #tpu.memory_space<hbm>> -> memref<32xi32, #tpu.memory_space<hbm>>
      %dma_start3A_47 = arith.constant 32 : i32
      %dma_start3A_48 = tpu.memref_slice %arg3[%add3A, %run_scoped3A_22, %dma_start3A_47] : memref<32x2x64xi32, #tpu.memory_space<hbm>> -> memref<1x1x32xi32, #tpu.memory_space<hbm>>
      %dma_start3A_49 = tpu.memref_squeeze %dma_start3A_48 : memref<1x1x32xi32, #tpu.memory_space<hbm>> -> memref<32xi32, #tpu.memory_space<hbm>>
      tpu.enqueue_dma source(%dma_start3A_49 : memref<32xi32, #tpu.memory_space<hbm>>) target(%arg8 : memref<32xi32, #tpu.memory_space<vmem>>) target_semaphore(%run_scoped3A_43 : memref<!tpu.dma_semaphore, #tpu.memory_space<semaphore_mem>>)
      %dma_wait3A_50 = arith.constant 32 : i32
      %dma_wait3A_51 = tpu.memref_slice %arg3[%add3A, %run_scoped3A_22, %dma_wait3A_50] : memref<32x2x64xi32, #tpu.memory_space<hbm>> -> memref<1x1x32xi32, #tpu.memory_space<hbm>>
      %dma_wait3A_52 = tpu.memref_squeeze %dma_wait3A_51 : memref<1x1x32xi32, #tpu.memory_space<hbm>> -> memref<32xi32, #tpu.memory_space<hbm>>
      %dma_wait3A_53 = arith.constant 32 : i32
      %dma_wait3A_54 = tpu.memref_slice %arg3[%add3A, %run_scoped3A_22, %dma_wait3A_53] : memref<32x2x64xi32, #tpu.memory_space<hbm>> -> memref<1x1x32xi32, #tpu.memory_space<hbm>>
      %dma_wait3A_55 = tpu.memref_squeeze %dma_wait3A_54 : memref<1x1x32xi32, #tpu.memory_space<hbm>> -> memref<32xi32, #tpu.memory_space<hbm>>
      tpu.wait_dma2 semaphore(%run_scoped3A_43 : memref<!tpu.dma_semaphore, #tpu.memory_space<semaphore_mem>>) src(%dma_wait3A_55 : memref<32xi32, #tpu.memory_space<hbm>>) dst(%arg8 : memref<32xi32, #tpu.memory_space<vmem>>)
      tpu.yield
    }) : () -> ()
    %dma_start3A_23 = arith.constant 0 : i32
    %dma_start3A_24 = arith.constant 0 : i32
    %dma_start3A_25 = tpu.memref_slice %arg2[%dma_start3A_23, %dma_start3A_24] : memref<5888x1024xf32, #tpu.memory_space<hbm>> -> memref<5888x1024xf32, #tpu.memory_space<hbm>>
    tpu.enqueue_indirect_dma source(%dma_start3A_25 : memref<5888x1024xf32, #tpu.memory_space<hbm>>) target(%arg5 : memref<32x1024xf32, #tpu.memory_space<vmem>>) offsets(%arg7 : memref<32xi32, #tpu.memory_space<vmem>>) semaphore(%arg9 : memref<!tpu.dma_semaphore, #tpu.memory_space<semaphore_mem>>)
    %dma_start3A_26 = arith.constant 0 : i32
    %dma_start3A_27 = arith.constant 0 : i32
    %dma_start3A_28 = tpu.memref_slice %arg2[%dma_start3A_26, %dma_start3A_27] : memref<5888x1024xf32, #tpu.memory_space<hbm>> -> memref<5888x1024xf32, #tpu.memory_space<hbm>>
    tpu.enqueue_indirect_dma source(%dma_start3A_28 : memref<5888x1024xf32, #tpu.memory_space<hbm>>) target(%arg6 : memref<32x1024xf32, #tpu.memory_space<vmem>>) offsets(%arg8 : memref<32xi32, #tpu.memory_space<vmem>>) semaphore(%arg10 : memref<!tpu.dma_semaphore, #tpu.memory_space<semaphore_mem>>)
    %dma_wait3A_29 = arith.constant 0 : i32
    %dma_wait3A_30 = arith.constant 0 : i32
    %dma_wait3A_31 = tpu.memref_slice %arg2[%dma_wait3A_29, %dma_wait3A_30] : memref<5888x1024xf32, #tpu.memory_space<hbm>> -> memref<5888x1024xf32, #tpu.memory_space<hbm>>
    tpu.wait_indirect_dma semaphore(%arg9 : memref<!tpu.dma_semaphore, #tpu.memory_space<semaphore_mem>>) src(%dma_wait3A_31 : memref<5888x1024xf32, #tpu.memory_space<hbm>>) dst(%arg5 : memref<32x1024xf32, #tpu.memory_space<vmem>>)
    %dma_wait3A_32 = arith.constant 0 : i32
    %dma_wait3A_33 = arith.constant 0 : i32
    %dma_wait3A_34 = tpu.memref_slice %arg2[%dma_wait3A_32, %dma_wait3A_33] : memref<5888x1024xf32, #tpu.memory_space<hbm>> -> memref<5888x1024xf32, #tpu.memory_space<hbm>>
    tpu.wait_indirect_dma semaphore(%arg10 : memref<!tpu.dma_semaphore, #tpu.memory_space<semaphore_mem>>) src(%dma_wait3A_34 : memref<5888x1024xf32, #tpu.memory_space<hbm>>) dst(%arg6 : memref<32x1024xf32, #tpu.memory_space<vmem>>)
    %scan3A_35 = arith.constant 0 : i32
    %scan3A_36 = arith.constant 0 : i32
    %scan3A_37 = arith.constant 32 : i32
    %scan3A_38 = arith.addi %scan3A_36, %scan3A_37 : i32
    %scan3A_39 = arith.constant 1 : i32
    scf.for %scan3A_43 = %scan3A_36 to %scan3A_38 step %scan3A_39  : i32 {
      %scan3A_44 = arith.constant 0 : i32
      %scan3A_45 = arith.constant 16 : i32
      %scan3A_46 = arith.addi %scan3A_44, %scan3A_45 : i32
      %scan3A_47 = arith.constant 1 : i32
      scf.for %scan3A_49 = %scan3A_44 to %scan3A_46 step %scan3A_47  : i32 {
        %mul3A_50 = arith.constant 64 : i32
        %mul3A_51 = arith.muli %scan3A_49, %mul3A_50 : i32
        %add3A_52 = arith.constant 0 : i32
        %add3A_53 = arith.addi %mul3A_51, %add3A_52 : i32
        %get3A = arith.index_cast %scan3A_43 : i32 to index
        %get3A_54 = arith.index_cast %add3A_53 : i32 to index
        %get3A_55 = tpu.vector_load %arg5[%get3A, %get3A_54] {strides = array<i32>} : memref<32x1024xf32, #tpu.memory_space<vmem>>, vector<1x16xf32>,
        %get3A_56 = vector.shape_cast %get3A_55 : vector<1x16xf32> to vector<16xf32>
        %get3A_57 = arith.index_cast %scan3A_43 : i32 to index
        %get3A_58 = arith.index_cast %add3A_53 : i32 to index
        %get3A_59 = tpu.vector_load %arg6[%get3A_57, %get3A_58] {strides = array<i32>} : memref<32x1024xf32, #tpu.memory_space<vmem>>, vector<1x16xf32>,
        %get3A_60 = vector.shape_cast %get3A_59 : vector<1x16xf32> to vector<16xf32>
        %add3A_61 = arith.addf %get3A_56, %get3A_60 : vector<16xf32>
        %swap3A = arith.index_cast %scan3A_43 : i32 to index
        %swap3A_62 = arith.index_cast %add3A_53 : i32 to index
        %swap3A_63 = tpu.vector_load %arg5[%swap3A, %swap3A_62] {strides = array<i32>} : memref<32x1024xf32, #tpu.memory_space<vmem>>, vector<1x16xf32>,
        %swap3A_64 = vector.shape_cast %swap3A_63 : vector<1x16xf32> to vector<16xf32>
        %swap3A_65 = vector.shape_cast %add3A_61 : vector<16xf32> to vector<1x16xf32>
        tpu.vector_store %arg5[%swap3A, %swap3A_62], %swap3A_65 {strides = array<i32>} : memref<32x1024xf32, #tpu.memory_space<vmem>>, vector<1x16xf32>,
        %mul3A_66 = arith.constant 64 : i32
        %mul3A_67 = arith.muli %scan3A_49, %mul3A_66 : i32
        %add3A_68 = arith.constant 16 : i32
        %add3A_69 = arith.addi %mul3A_67, %add3A_68 : i32
        %get3A_70 = arith.index_cast %scan3A_43 : i32 to index
        %get3A_71 = arith.index_cast %add3A_69 : i32 to index
        %get3A_72 = tpu.vector_load %arg5[%get3A_70, %get3A_71] {strides = array<i32>} : memref<32x1024xf32, #tpu.memory_space<vmem>>, vector<1x16xf32>,
        %get3A_73 = vector.shape_cast %get3A_72 : vector<1x16xf32> to vector<16xf32>
        %get3A_74 = arith.index_cast %scan3A_43 : i32 to index
        %get3A_75 = arith.index_cast %add3A_69 : i32 to index
        %get3A_76 = tpu.vector_load %arg6[%get3A_74, %get3A_75] {strides = array<i32>} : memref<32x1024xf32, #tpu.memory_space<vmem>>, vector<1x16xf32>,
        %get3A_77 = vector.shape_cast %get3A_76 : vector<1x16xf32> to vector<16xf32>
        %add3A_78 = arith.addf %get3A_73, %get3A_77 : vector<16xf32>
        %swap3A_79 = arith.index_cast %scan3A_43 : i32 to index
        %swap3A_80 = arith.index_cast %add3A_69 : i32 to index
        %swap3A_81 = tpu.vector_load %arg5[%swap3A_79, %swap3A_80] {strides = array<i32>} : memref<32x1024xf32, #tpu.memory_space<vmem>>, vector<1x16xf32>,
        %swap3A_82 = vector.shape_cast %swap3A_81 : vector<1x16xf32> to vector<16xf32>
        %swap3A_83 = vector.shape_cast %add3A_78 : vector<16xf32> to vector<1x16xf32>
        tpu.vector_store %arg5[%swap3A_79, %swap3A_80], %swap3A_83 {strides = array<i32>} : memref<32x1024xf32, #tpu.memory_space<vmem>>, vector<1x16xf32>,
        %mul3A_84 = arith.constant 64 : i32
        %mul3A_85 = arith.muli %scan3A_49, %mul3A_84 : i32
        %add3A_86 = arith.constant 32 : i32
        %add3A_87 = arith.addi %mul3A_85, %add3A_86 : i32
        %get3A_88 = arith.index_cast %scan3A_43 : i32 to index
        %get3A_89 = arith.index_cast %add3A_87 : i32 to index
        %get3A_90 = tpu.vector_load %arg5[%get3A_88, %get3A_89] {strides = array<i32>} : memref<32x1024xf32, #tpu.memory_space<vmem>>, vector<1x16xf32>,
        %get3A_91 = vector.shape_cast %get3A_90 : vector<1x16xf32> to vector<16xf32>
        %get3A_92 = arith.index_cast %scan3A_43 : i32 to index
        %get3A_93 = arith.index_cast %add3A_87 : i32 to index
        %get3A_94 = tpu.vector_load %arg6[%get3A_92, %get3A_93] {strides = array<i32>} : memref<32x1024xf32, #tpu.memory_space<vmem>>, vector<1x16xf32>,
        %get3A_95 = vector.shape_cast %get3A_94 : vector<1x16xf32> to vector<16xf32>
        %add3A_96 = arith.addf %get3A_91, %get3A_95 : vector<16xf32>
        %swap3A_97 = arith.index_cast %scan3A_43 : i32 to index
        %swap3A_98 = arith.index_cast %add3A_87 : i32 to index
        %swap3A_99 = tpu.vector_load %arg5[%swap3A_97, %swap3A_98] {strides = array<i32>} : memref<32x1024xf32, #tpu.memory_space<vmem>>, vector<1x16xf32>,
        %swap3A_100 = vector.shape_cast %swap3A_99 : vector<1x16xf32> to vector<16xf32>
        %swap3A_101 = vector.shape_cast %add3A_96 : vector<16xf32> to vector<1x16xf32>
        tpu.vector_store %arg5[%swap3A_97, %swap3A_98], %swap3A_101 {strides = array<i32>} : memref<32x1024xf32, #tpu.memory_space<vmem>>, vector<1x16xf32>,
        %mul3A_102 = arith.constant 64 : i32
        %mul3A_103 = arith.muli %scan3A_49, %mul3A_102 : i32
        %add3A_104 = arith.constant 48 : i32
        %add3A_105 = arith.addi %mul3A_103, %add3A_104 : i32
        %get3A_106 = arith.index_cast %scan3A_43 : i32 to index
        %get3A_107 = arith.index_cast %add3A_105 : i32 to index
        %get3A_108 = tpu.vector_load %arg5[%get3A_106, %get3A_107] {strides = array<i32>} : memref<32x1024xf32, #tpu.memory_space<vmem>>, vector<1x16xf32>,
        %get3A_109 = vector.shape_cast %get3A_108 : vector<1x16xf32> to vector<16xf32>
        %get3A_110 = arith.index_cast %scan3A_43 : i32 to index
        %get3A_111 = arith.index_cast %add3A_105 : i32 to index
        %get3A_112 = tpu.vector_load %arg6[%get3A_110, %get3A_111] {strides = array<i32>} : memref<32x1024xf32, #tpu.memory_space<vmem>>, vector<1x16xf32>,
        %get3A_113 = vector.shape_cast %get3A_112 : vector<1x16xf32> to vector<16xf32>
        %add3A_114 = arith.addf %get3A_109, %get3A_113 : vector<16xf32>
        %swap3A_115 = arith.index_cast %scan3A_43 : i32 to index
        %swap3A_116 = arith.index_cast %add3A_105 : i32 to index
        %swap3A_117 = tpu.vector_load %arg5[%swap3A_115, %swap3A_116] {strides = array<i32>} : memref<32x1024xf32, #tpu.memory_space<vmem>>, vector<1x16xf32>,
        %swap3A_118 = vector.shape_cast %swap3A_117 : vector<1x16xf32> to vector<16xf32>
        %swap3A_119 = vector.shape_cast %add3A_114 : vector<16xf32> to vector<1x16xf32>
        tpu.vector_store %arg5[%swap3A_115, %swap3A_116], %swap3A_119 {strides = array<i32>} : memref<32x1024xf32, #tpu.memory_space<vmem>>, vector<1x16xf32>,
      }
      %scan3A_48 = arith.constant 16 : i32
    }
    %scan3A_40 = arith.constant 32 : i32
    %add3A_41 = arith.constant 32 : i32
    %add3A_42 = arith.addi %mul3A_2, %add3A_41 : i32
    "tpu.region"() ({
      %run_scoped3A_43 = tpu.sem_alloc : memref<!tpu.dma_semaphore, #tpu.memory_space<semaphore_mem>>
      %dma_start3A_44 = arith.constant 0 : i32
      %dma_start3A_45 = tpu.memref_slice %arg4[%add3A_42, %dma_start3A_44] : memref<2048x1024xf32, #tpu.memory_space<hbm>> -> memref<32x1024xf32, #tpu.memory_space<hbm>>
      %dma_start3A_46 = arith.constant 0 : i32
      %dma_start3A_47 = tpu.memref_slice %arg4[%add3A_42, %dma_start3A_46] : memref<2048x1024xf32, #tpu.memory_space<hbm>> -> memref<32x1024xf32, #tpu.memory_space<hbm>>
      tpu.enqueue_dma source(%arg5 : memref<32x1024xf32, #tpu.memory_space<vmem>>) target(%dma_start3A_47 : memref<32x1024xf32, #tpu.memory_space<hbm>>) target_semaphore(%run_scoped3A_43 : memref<!tpu.dma_semaphore, #tpu.memory_space<semaphore_mem>>)
      %dma_wait3A_48 = arith.constant 0 : i32
      %dma_wait3A_49 = tpu.memref_slice %arg4[%add3A_42, %dma_wait3A_48] : memref<2048x1024xf32, #tpu.memory_space<hbm>> -> memref<32x1024xf32, #tpu.memory_space<hbm>>
      %dma_wait3A_50 = arith.constant 0 : i32
      %dma_wait3A_51 = tpu.memref_slice %arg4[%add3A_42, %dma_wait3A_50] : memref<2048x1024xf32, #tpu.memory_space<hbm>> -> memref<32x1024xf32, #tpu.memory_space<hbm>>
      tpu.wait_dma2 semaphore(%run_scoped3A_43 : memref<!tpu.dma_semaphore, #tpu.memory_space<semaphore_mem>>) src(%arg5 : memref<32x1024xf32, #tpu.memory_space<vmem>>) dst(%dma_wait3A_51 : memref<32x1024xf32, #tpu.memory_space<hbm>>)
      tpu.yield
    }) : () -> ()
    return
  }
}

module attributes {stable_mosaic.version = 14 : i64} {
  func.func @_meta_body(%arg0: memref<2048x1024xf32, #tpu.memory_space<vmem>>, %arg1: memref<128x1024xf32, #tpu.memory_space<vmem>>, %arg2: memref<2048x128xi32, #tpu.memory_space<vmem>>, %arg3: memref<4096x128xf32, #tpu.memory_space<vmem>>, %arg4: memref<1x128xi32, #tpu.memory_space<vmem>>, %arg5: memref<1x128xi32, #tpu.memory_space<vmem>>) attributes {dimension_semantics = [], scalar_prefetch = 0 : i64, scratch_operands = 0 : i64, tpu.core_type = #tpu.core_type<tc>} {
    %get3A = arith.constant 0 : index
    %get3A_0 = arith.constant 0 : index
    %get3A_1 = vector.load %arg0[%get3A, %get3A_0] : memref<2048x1024xf32, #tpu.memory_space<vmem>>, vector<2048x1024xf32>
    %get3A_2 = arith.constant 0 : index
    %get3A_3 = arith.constant 0 : index
    %get3A_4 = vector.load %arg1[%get3A_2, %get3A_3] : memref<128x1024xf32, #tpu.memory_space<vmem>>, vector<128x1024xf32>
    %dot_general3A = arith.constant dense<0.000000e+00> : vector<2048x128xf32>
    %dot_general3A_5 = tpu.matmul %get3A_1, %get3A_4, %dot_general3A {dimension_numbers = #tpu.dot_dimension_numbers<[1], [1], [0], [0], [0, 0, 1, 0], [], []>, transpose_lhs_hint = false} : vector<2048x1024xf32>, vector<128x1024xf32>, vector<2048x128xf32> -> vector<2048x128xf32>
    %iota3A = tpu.iota {dimensions = array<i32: 1>} : vector<2048x128xi32>
    %lt3A = arith.constant 8 : i32
    %lt3A_6 = vector.broadcast %lt3A : i32 to vector<2048x128xi32>
    %lt3A_7 = arith.cmpi slt, %iota3A, %lt3A_6 : vector<2048x128xi32>
    %jit3A = arith.constant -1.000000e+30 : f32
    %broadcast_in_dim3A = vector.broadcast %jit3A : f32 to vector<2048x128xf32>
    %select_n3A = arith.select %lt3A_7, %dot_general3A_5, %broadcast_in_dim3A : vector<2048x128xi1>, vector<2048x128xf32>
    %reduce_max3A = arith.constant dense<0xFF800000> : vector<2048xf32>
    %reduce_max3A_8 = vector.multi_reduction <maximumf>, %select_n3A, %reduce_max3A [1] : vector<2048x128xf32> to vector<2048xf32>
    %broadcast_in_dim3A_9 = vector.shape_cast %reduce_max3A_8 : vector<2048xf32> to vector<2048x1xf32>
    %sub3A = vector.broadcast %broadcast_in_dim3A_9 : vector<2048x1xf32> to vector<2048x128xf32>
    %sub3A_10 = arith.subf %select_n3A, %sub3A : vector<2048x128xf32>
    %exp3A = math.exp %sub3A_10 : vector<2048x128xf32>
    %jit3A_11 = arith.constant 0.000000e+00 : f32
    %broadcast_in_dim3A_12 = vector.broadcast %jit3A_11 : f32 to vector<2048x128xf32>
    %select_n3A_13 = arith.select %lt3A_7, %exp3A, %broadcast_in_dim3A_12 : vector<2048x128xi1>, vector<2048x128xf32>
    %reduce_sum3A = arith.constant dense<0.000000e+00> : vector<2048xf32>
    %reduce_sum3A_14 = vector.multi_reduction <add>, %select_n3A_13, %reduce_sum3A [1] : vector<2048x128xf32> to vector<2048xf32>
    %broadcast_in_dim3A_15 = vector.shape_cast %reduce_sum3A_14 : vector<2048xf32> to vector<2048x1xf32>
    %div3A = vector.broadcast %broadcast_in_dim3A_15 : vector<2048x1xf32> to vector<2048x128xf32>
    %div3A_16 = arith.divf %select_n3A_13, %div3A : vector<2048x128xf32>
    %reduce_max3A_17 = arith.constant dense<0xFF800000> : vector<2048xf32>
    %reduce_max3A_18 = vector.multi_reduction <maximumf>, %div3A_16, %reduce_max3A_17 [1] : vector<2048x128xf32> to vector<2048xf32>
    %broadcast_in_dim3A_19 = vector.shape_cast %reduce_max3A_18 : vector<2048xf32> to vector<2048x1xf32>
    %eq3A = vector.broadcast %broadcast_in_dim3A_19 : vector<2048x1xf32> to vector<2048x128xf32>
    %eq3A_20 = arith.cmpf oeq, %div3A_16, %eq3A : vector<2048x128xf32>
    %jit3A_21 = arith.constant 128 : i32
    %broadcast_in_dim3A_22 = vector.broadcast %jit3A_21 : i32 to vector<2048x128xi32>
    %select_n3A_23 = arith.select %eq3A_20, %iota3A, %broadcast_in_dim3A_22 : vector<2048x128xi1>, vector<2048x128xi32>
    %reduce_min3A = arith.constant dense<2147483647> : vector<2048xi32>
    %reduce_min3A_24 = vector.multi_reduction <minsi>, %select_n3A_23, %reduce_min3A [1] : vector<2048x128xi32> to vector<2048xi32>
    %broadcast_in_dim3A_25 = vector.shape_cast %reduce_min3A_24 : vector<2048xi32> to vector<2048x1xi32>
    %eq3A_26 = vector.broadcast %broadcast_in_dim3A_25 : vector<2048x1xi32> to vector<2048x128xi32>
    %eq3A_27 = arith.cmpi eq, %iota3A, %eq3A_26 : vector<2048x128xi32>
    %jit3A_28 = arith.constant -1.000000e+00 : f32
    %broadcast_in_dim3A_29 = vector.broadcast %jit3A_28 : f32 to vector<2048x128xf32>
    %select_n3A_30 = arith.select %eq3A_27, %broadcast_in_dim3A_29, %div3A_16 : vector<2048x128xi1>, vector<2048x128xf32>
    %reduce_max3A_31 = arith.constant dense<0xFF800000> : vector<2048xf32>
    %reduce_max3A_32 = vector.multi_reduction <maximumf>, %select_n3A_30, %reduce_max3A_31 [1] : vector<2048x128xf32> to vector<2048xf32>
    %broadcast_in_dim3A_33 = vector.shape_cast %reduce_max3A_32 : vector<2048xf32> to vector<2048x1xf32>
    %eq3A_34 = vector.broadcast %broadcast_in_dim3A_33 : vector<2048x1xf32> to vector<2048x128xf32>
    %eq3A_35 = arith.cmpf oeq, %select_n3A_30, %eq3A_34 : vector<2048x128xf32>
    %jit3A_36 = arith.constant 128 : i32
    %broadcast_in_dim3A_37 = vector.broadcast %jit3A_36 : i32 to vector<2048x128xi32>
    %select_n3A_38 = arith.select %eq3A_35, %iota3A, %broadcast_in_dim3A_37 : vector<2048x128xi1>, vector<2048x128xi32>
    %reduce_min3A_39 = arith.constant dense<2147483647> : vector<2048xi32>
    %reduce_min3A_40 = vector.multi_reduction <minsi>, %select_n3A_38, %reduce_min3A_39 [1] : vector<2048x128xi32> to vector<2048xi32>
    %broadcast_in_dim3A_41 = vector.shape_cast %reduce_min3A_40 : vector<2048xi32> to vector<2048x1xi32>
    %eq3A_42 = vector.broadcast %broadcast_in_dim3A_25 : vector<2048x1xi32> to vector<2048x128xi32>
    %eq3A_43 = arith.cmpi eq, %iota3A, %eq3A_42 : vector<2048x128xi32>
    %convert_element_type3A = arith.extui %eq3A_43 : vector<2048x128xi1> to vector<2048x128xi32>
    %convert_element_type3A_44 = arith.sitofp %convert_element_type3A : vector<2048x128xi32> to vector<2048x128xf32>
    %convert_element_type3A_45 = arith.truncf %convert_element_type3A_44 : vector<2048x128xf32> to vector<2048x128xbf16>
    %eq3A_46 = vector.broadcast %broadcast_in_dim3A_41 : vector<2048x1xi32> to vector<2048x128xi32>
    %eq3A_47 = arith.cmpi eq, %iota3A, %eq3A_46 : vector<2048x128xi32>
    %convert_element_type3A_48 = arith.extui %eq3A_47 : vector<2048x128xi1> to vector<2048x128xi32>
    %convert_element_type3A_49 = arith.sitofp %convert_element_type3A_48 : vector<2048x128xi32> to vector<2048x128xf32>
    %convert_element_type3A_50 = arith.truncf %convert_element_type3A_49 : vector<2048x128xf32> to vector<2048x128xbf16>
    %iota3A_51 = tpu.iota {dimensions = array<i32: 0>} : vector<2048x2048xi32>
    %iota3A_52 = tpu.iota {dimensions = array<i32: 1>} : vector<2048x2048xi32>
    %gt3A = arith.cmpi sgt, %iota3A_51, %iota3A_52 : vector<2048x2048xi32>
    %convert_element_type3A_53 = arith.extui %gt3A : vector<2048x2048xi1> to vector<2048x2048xi32>
    %convert_element_type3A_54 = arith.sitofp %convert_element_type3A_53 : vector<2048x2048xi32> to vector<2048x2048xf32>
    %convert_element_type3A_55 = arith.truncf %convert_element_type3A_54 : vector<2048x2048xf32> to vector<2048x2048xbf16>
    %dot_general3A_56 = arith.constant dense<0.000000e+00> : vector<2048x128xf32>
    %dot_general3A_57 = tpu.matmul %convert_element_type3A_55, %convert_element_type3A_45, %dot_general3A_56 {dimension_numbers = #tpu.dot_dimension_numbers<[1], [0], [0], [1], [0, 0, 1, 1], [], []>, transpose_lhs_hint = false} : vector<2048x2048xbf16>, vector<2048x128xbf16>, vector<2048x128xf32> -> vector<2048x128xf32>
    %convert_element_type3A_58 = arith.extf %convert_element_type3A_45 : vector<2048x128xbf16> to vector<2048x128xf32>
    %reduce_sum3A_59 = arith.constant dense<0.000000e+00> : vector<128xf32>
    %reduce_sum3A_60 = vector.multi_reduction <add>, %convert_element_type3A_58, %reduce_sum3A_59 [0] : vector<2048x128xf32> to vector<128xf32>
    %broadcast_in_dim3A_61 = vector.shape_cast %reduce_sum3A_60 : vector<128xf32> to vector<1x128xf32>
    %dot_general3A_62 = arith.constant dense<0.000000e+00> : vector<2048x128xf32>
    %dot_general3A_63 = tpu.matmul %convert_element_type3A_55, %convert_element_type3A_50, %dot_general3A_62 {dimension_numbers = #tpu.dot_dimension_numbers<[1], [0], [0], [1], [0, 0, 1, 1], [], []>, transpose_lhs_hint = false} : vector<2048x2048xbf16>, vector<2048x128xbf16>, vector<2048x128xf32> -> vector<2048x128xf32>
    %add3A = vector.broadcast %broadcast_in_dim3A_61 : vector<1x128xf32> to vector<2048x128xf32>
    %add3A_64 = arith.addf %dot_general3A_63, %add3A : vector<2048x128xf32>
    %convert_element_type3A_65 = arith.extf %convert_element_type3A_50 : vector<2048x128xbf16> to vector<2048x128xf32>
    %reduce_sum3A_66 = arith.constant dense<0.000000e+00> : vector<128xf32>
    %reduce_sum3A_67 = vector.multi_reduction <add>, %convert_element_type3A_65, %reduce_sum3A_66 [0] : vector<2048x128xf32> to vector<128xf32>
    %broadcast_in_dim3A_68 = vector.shape_cast %reduce_sum3A_67 : vector<128xf32> to vector<1x128xf32>
    %add3A_69 = arith.addf %broadcast_in_dim3A_61, %broadcast_in_dim3A_68 : vector<1x128xf32>
    %convert_element_type3A_70 = arith.fptosi %add3A_69 : vector<1x128xf32> to vector<1x128xi32>
    %add3A_71 = arith.constant 255 : i32
    %add3A_72 = vector.broadcast %add3A_71 : i32 to vector<1x128xi32>
    %add3A_73 = arith.addi %convert_element_type3A_70, %add3A_72 : vector<1x128xi32>
    %jit3A_74 = arith.constant 256 : i32
    %div3A_75 = vector.broadcast %jit3A_74 : i32 to vector<1x128xi32>
    %div3A_76 = arith.divsi %add3A_73, %div3A_75 : vector<1x128xi32>
    %sign3A = arith.constant 0 : i32
    %sign3A_77 = vector.broadcast %sign3A : i32 to vector<1x128xi32>
    %sign3A_78 = arith.cmpi sgt, %add3A_73, %sign3A_77 : vector<1x128xi32>
    %sign3A_79 = arith.extui %sign3A_78 : vector<1x128xi1> to vector<1x128xi32>
    %sign3A_80 = arith.constant 0 : i32
    %sign3A_81 = vector.broadcast %sign3A_80 : i32 to vector<1x128xi32>
    %sign3A_82 = arith.cmpi slt, %add3A_73, %sign3A_81 : vector<1x128xi32>
    %sign3A_83 = arith.extui %sign3A_82 : vector<1x128xi1> to vector<1x128xi32>
    %sign3A_84 = arith.subi %sign3A_79, %sign3A_83 : vector<1x128xi32>
    %sign3A_85 = arith.constant 0 : i32
    %sign3A_86 = arith.cmpi sgt, %jit3A_74, %sign3A_85 : i32
    %sign3A_87 = arith.extui %sign3A_86 : i1 to i32
    %sign3A_88 = arith.constant 0 : i32
    %sign3A_89 = arith.cmpi slt, %jit3A_74, %sign3A_88 : i32
    %sign3A_90 = arith.extui %sign3A_89 : i1 to i32
    %sign3A_91 = arith.subi %sign3A_87, %sign3A_90 : i32
    %ne3A = vector.broadcast %sign3A_91 : i32 to vector<1x128xi32>
    %ne3A_92 = arith.cmpi ne, %sign3A_84, %ne3A : vector<1x128xi32>
    %rem3A = vector.broadcast %jit3A_74 : i32 to vector<1x128xi32>
    %rem3A_93 = arith.remsi %add3A_73, %rem3A : vector<1x128xi32>
    %ne3A_94 = arith.constant 0 : i32
    %ne3A_95 = vector.broadcast %ne3A_94 : i32 to vector<1x128xi32>
    %ne3A_96 = arith.cmpi ne, %rem3A_93, %ne3A_95 : vector<1x128xi32>
    %and3A = arith.andi %ne3A_92, %ne3A_96 : vector<1x128xi1>
    %sub3A_97 = arith.constant 1 : i32
    %sub3A_98 = vector.broadcast %sub3A_97 : i32 to vector<1x128xi32>
    %sub3A_99 = arith.subi %div3A_76, %sub3A_98 : vector<1x128xi32>
    %select_n3A_100 = arith.select %and3A, %sub3A_99, %div3A_76 : vector<1x128xi1>, vector<1x128xi32>
    %mul3A = arith.constant 256 : i32
    %mul3A_101 = vector.broadcast %mul3A : i32 to vector<1x128xi32>
    %mul3A_102 = arith.muli %select_n3A_100, %mul3A_101 : vector<1x128xi32>
    %iota3A_103 = tpu.iota {dimensions = array<i32: 0>} : vector<128x128xi32>
    %iota3A_104 = tpu.iota {dimensions = array<i32: 1>} : vector<128x128xi32>
    %lt3A_105 = arith.cmpi slt, %iota3A_103, %iota3A_104 : vector<128x128xi32>
    %convert_element_type3A_106 = arith.extui %lt3A_105 : vector<128x128xi1> to vector<128x128xi32>
    %convert_element_type3A_107 = arith.sitofp %convert_element_type3A_106 : vector<128x128xi32> to vector<128x128xf32>
    %convert_element_type3A_108 = arith.truncf %convert_element_type3A_107 : vector<128x128xf32> to vector<128x128xbf16>
    %convert_element_type3A_109 = arith.sitofp %mul3A_102 : vector<1x128xi32> to vector<1x128xbf16>
    %dot_general3A_110 = arith.constant dense<0.000000e+00> : vector<1x128xf32>
    %dot_general3A_111 = tpu.matmul %convert_element_type3A_109, %convert_element_type3A_108, %dot_general3A_110 {dimension_numbers = #tpu.dot_dimension_numbers<[1], [0], [0], [1], [0, 0, 1, 1], [], []>, transpose_lhs_hint = false} : vector<1x128xbf16>, vector<128x128xbf16>, vector<1x128xf32> -> vector<1x128xf32>
    %convert_element_type3A_112 = arith.fptosi %dot_general3A_111 : vector<1x128xf32> to vector<1x128xi32>
    %convert_element_type3A_113 = arith.sitofp %convert_element_type3A_112 : vector<1x128xi32> to vector<1x128xf32>
    %broadcast_in_dim3A_114 = vector.shape_cast %convert_element_type3A_113 : vector<1x128xf32> to vector<1x128xf32>
    %broadcast_in_dim3A_115 = vector.broadcast %broadcast_in_dim3A_114 : vector<1x128xf32> to vector<2048x128xf32>
    %eq3A_116 = vector.broadcast %broadcast_in_dim3A_25 : vector<2048x1xi32> to vector<2048x128xi32>
    %eq3A_117 = arith.cmpi eq, %iota3A, %eq3A_116 : vector<2048x128xi32>
    %add3A_118 = arith.addf %broadcast_in_dim3A_115, %dot_general3A_57 : vector<2048x128xf32>
    %jit3A_119 = arith.constant 0.000000e+00 : f32
    %broadcast_in_dim3A_120 = vector.broadcast %jit3A_119 : f32 to vector<2048x128xf32>
    %select_n3A_121 = arith.select %eq3A_117, %add3A_118, %broadcast_in_dim3A_120 : vector<2048x128xi1>, vector<2048x128xf32>
    %reduce_sum3A_122 = arith.constant dense<0.000000e+00> : vector<2048xf32>
    %reduce_sum3A_123 = vector.multi_reduction <add>, %select_n3A_121, %reduce_sum3A_122 [1] : vector<2048x128xf32> to vector<2048xf32>
    %broadcast_in_dim3A_124 = vector.shape_cast %reduce_sum3A_123 : vector<2048xf32> to vector<2048x1xf32>
    %eq3A_125 = vector.broadcast %broadcast_in_dim3A_41 : vector<2048x1xi32> to vector<2048x128xi32>
    %eq3A_126 = arith.cmpi eq, %iota3A, %eq3A_125 : vector<2048x128xi32>
    %add3A_127 = arith.addf %broadcast_in_dim3A_115, %add3A_64 : vector<2048x128xf32>
    %jit3A_128 = arith.constant 0.000000e+00 : f32
    %broadcast_in_dim3A_129 = vector.broadcast %jit3A_128 : f32 to vector<2048x128xf32>
    %select_n3A_130 = arith.select %eq3A_126, %add3A_127, %broadcast_in_dim3A_129 : vector<2048x128xi1>, vector<2048x128xf32>
    %reduce_sum3A_131 = arith.constant dense<0.000000e+00> : vector<2048xf32>
    %reduce_sum3A_132 = vector.multi_reduction <add>, %select_n3A_130, %reduce_sum3A_131 [1] : vector<2048x128xf32> to vector<2048xf32>
    %broadcast_in_dim3A_133 = vector.shape_cast %reduce_sum3A_132 : vector<2048xf32> to vector<2048x1xf32>
    %eq3A_134 = arith.constant 0 : i32
    %eq3A_135 = vector.broadcast %eq3A_134 : i32 to vector<2048x128xi32>
    %eq3A_136 = arith.cmpi eq, %iota3A, %eq3A_135 : vector<2048x128xi32>
    %eq3A_137 = arith.constant 1 : i32
    %eq3A_138 = vector.broadcast %eq3A_137 : i32 to vector<2048x128xi32>
    %eq3A_139 = arith.cmpi eq, %iota3A, %eq3A_138 : vector<2048x128xi32>
    %jit3A_140 = arith.constant 0.000000e+00 : f32
    %broadcast_in_dim3A_141 = vector.shape_cast %broadcast_in_dim3A_133 : vector<2048x1xf32> to vector<2048x1xf32>
    %broadcast_in_dim3A_142 = vector.broadcast %broadcast_in_dim3A_141 : vector<2048x1xf32> to vector<2048x128xf32>
    %broadcast_in_dim3A_143 = vector.broadcast %jit3A_140 : f32 to vector<2048x128xf32>
    %select_n3A_144 = arith.select %eq3A_139, %broadcast_in_dim3A_142, %broadcast_in_dim3A_143 : vector<2048x128xi1>, vector<2048x128xf32>
    %broadcast_in_dim3A_145 = vector.shape_cast %broadcast_in_dim3A_124 : vector<2048x1xf32> to vector<2048x1xf32>
    %broadcast_in_dim3A_146 = vector.broadcast %broadcast_in_dim3A_145 : vector<2048x1xf32> to vector<2048x128xf32>
    %select_n3A_147 = arith.select %eq3A_136, %broadcast_in_dim3A_146, %select_n3A_144 : vector<2048x128xi1>, vector<2048x128xf32>
    %convert_element_type3A_148 = arith.fptosi %select_n3A_147 : vector<2048x128xf32> to vector<2048x128xi32>
    %swap3A = arith.constant 0 : index
    %swap3A_149 = arith.constant 0 : index
    %swap3A_150 = vector.load %arg2[%swap3A, %swap3A_149] : memref<2048x128xi32, #tpu.memory_space<vmem>>, vector<2048x128xi32>
    tpu.vector_store %arg2[%swap3A, %swap3A_149], %convert_element_type3A_148 {strides = array<i32>} : memref<2048x128xi32, #tpu.memory_space<vmem>>, vector<2048x128xi32>,
    %broadcast_in_dim3A_151 = vector.shape_cast %broadcast_in_dim3A_19 : vector<2048x1xf32> to vector<2048x1xf32>
    %broadcast_in_dim3A_152 = vector.broadcast %broadcast_in_dim3A_151 : vector<2048x1xf32> to vector<2048x128xf32>
    %swap3A_153 = arith.constant 0 : index
    %swap3A_154 = arith.constant 0 : index
    %swap3A_155 = vector.load %arg3[%swap3A_153, %swap3A_154] : memref<4096x128xf32, #tpu.memory_space<vmem>>, vector<2048x128xf32>
    tpu.vector_store %arg3[%swap3A_153, %swap3A_154], %broadcast_in_dim3A_152 {strides = array<i32>} : memref<4096x128xf32, #tpu.memory_space<vmem>>, vector<2048x128xf32>,
    %broadcast_in_dim3A_156 = vector.shape_cast %broadcast_in_dim3A_33 : vector<2048x1xf32> to vector<2048x1xf32>
    %broadcast_in_dim3A_157 = vector.broadcast %broadcast_in_dim3A_156 : vector<2048x1xf32> to vector<2048x128xf32>
    %swap3A_158 = arith.constant 2048 : index
    %swap3A_159 = arith.constant 0 : index
    %swap3A_160 = vector.load %arg3[%swap3A_158, %swap3A_159] : memref<4096x128xf32, #tpu.memory_space<vmem>>, vector<2048x128xf32>
    tpu.vector_store %arg3[%swap3A_158, %swap3A_159], %broadcast_in_dim3A_157 {strides = array<i32>} : memref<4096x128xf32, #tpu.memory_space<vmem>>, vector<2048x128xf32>,
    %jit3A_161 = arith.constant 256 : i32
    %div3A_162 = vector.broadcast %jit3A_161 : i32 to vector<1x128xi32>
    %div3A_163 = arith.divsi %convert_element_type3A_112, %div3A_162 : vector<1x128xi32>
    %sign3A_164 = arith.constant 0 : i32
    %sign3A_165 = vector.broadcast %sign3A_164 : i32 to vector<1x128xi32>
    %sign3A_166 = arith.cmpi sgt, %convert_element_type3A_112, %sign3A_165 : vector<1x128xi32>
    %sign3A_167 = arith.extui %sign3A_166 : vector<1x128xi1> to vector<1x128xi32>
    %sign3A_168 = arith.constant 0 : i32
    %sign3A_169 = vector.broadcast %sign3A_168 : i32 to vector<1x128xi32>
    %sign3A_170 = arith.cmpi slt, %convert_element_type3A_112, %sign3A_169 : vector<1x128xi32>
    %sign3A_171 = arith.extui %sign3A_170 : vector<1x128xi1> to vector<1x128xi32>
    %sign3A_172 = arith.subi %sign3A_167, %sign3A_171 : vector<1x128xi32>
    %sign3A_173 = arith.constant 0 : i32
    %sign3A_174 = arith.cmpi sgt, %jit3A_161, %sign3A_173 : i32
    %sign3A_175 = arith.extui %sign3A_174 : i1 to i32
    %sign3A_176 = arith.constant 0 : i32
    %sign3A_177 = arith.cmpi slt, %jit3A_161, %sign3A_176 : i32
    %sign3A_178 = arith.extui %sign3A_177 : i1 to i32
    %sign3A_179 = arith.subi %sign3A_175, %sign3A_178 : i32
    %ne3A_180 = vector.broadcast %sign3A_179 : i32 to vector<1x128xi32>
    %ne3A_181 = arith.cmpi ne, %sign3A_172, %ne3A_180 : vector<1x128xi32>
    %rem3A_182 = vector.broadcast %jit3A_161 : i32 to vector<1x128xi32>
    %rem3A_183 = arith.remsi %convert_element_type3A_112, %rem3A_182 : vector<1x128xi32>
    %ne3A_184 = arith.constant 0 : i32
    %ne3A_185 = vector.broadcast %ne3A_184 : i32 to vector<1x128xi32>
    %ne3A_186 = arith.cmpi ne, %rem3A_183, %ne3A_185 : vector<1x128xi32>
    %and3A_187 = arith.andi %ne3A_181, %ne3A_186 : vector<1x128xi1>
    %sub3A_188 = arith.constant 1 : i32
    %sub3A_189 = vector.broadcast %sub3A_188 : i32 to vector<1x128xi32>
    %sub3A_190 = arith.subi %div3A_163, %sub3A_189 : vector<1x128xi32>
    %select_n3A_191 = arith.select %and3A_187, %sub3A_190, %div3A_163 : vector<1x128xi1>, vector<1x128xi32>
    %jit3A_192 = arith.constant 256 : i32
    %div3A_193 = vector.broadcast %jit3A_192 : i32 to vector<1x128xi32>
    %div3A_194 = arith.divsi %mul3A_102, %div3A_193 : vector<1x128xi32>
    %sign3A_195 = arith.constant 0 : i32
    %sign3A_196 = vector.broadcast %sign3A_195 : i32 to vector<1x128xi32>
    %sign3A_197 = arith.cmpi sgt, %mul3A_102, %sign3A_196 : vector<1x128xi32>
    %sign3A_198 = arith.extui %sign3A_197 : vector<1x128xi1> to vector<1x128xi32>
    %sign3A_199 = arith.constant 0 : i32
    %sign3A_200 = vector.broadcast %sign3A_199 : i32 to vector<1x128xi32>
    %sign3A_201 = arith.cmpi slt, %mul3A_102, %sign3A_200 : vector<1x128xi32>
    %sign3A_202 = arith.extui %sign3A_201 : vector<1x128xi1> to vector<1x128xi32>
    %sign3A_203 = arith.subi %sign3A_198, %sign3A_202 : vector<1x128xi32>
    %sign3A_204 = arith.constant 0 : i32
    %sign3A_205 = arith.cmpi sgt, %jit3A_192, %sign3A_204 : i32
    %sign3A_206 = arith.extui %sign3A_205 : i1 to i32
    %sign3A_207 = arith.constant 0 : i32
    %sign3A_208 = arith.cmpi slt, %jit3A_192, %sign3A_207 : i32
    %sign3A_209 = arith.extui %sign3A_208 : i1 to i32
    %sign3A_210 = arith.subi %sign3A_206, %sign3A_209 : i32
    %ne3A_211 = vector.broadcast %sign3A_210 : i32 to vector<1x128xi32>
    %ne3A_212 = arith.cmpi ne, %sign3A_203, %ne3A_211 : vector<1x128xi32>
    %rem3A_213 = vector.broadcast %jit3A_192 : i32 to vector<1x128xi32>
    %rem3A_214 = arith.remsi %mul3A_102, %rem3A_213 : vector<1x128xi32>
    %ne3A_215 = arith.constant 0 : i32
    %ne3A_216 = vector.broadcast %ne3A_215 : i32 to vector<1x128xi32>
    %ne3A_217 = arith.cmpi ne, %rem3A_214, %ne3A_216 : vector<1x128xi32>
    %and3A_218 = arith.andi %ne3A_212, %ne3A_217 : vector<1x128xi1>
    %sub3A_219 = arith.constant 1 : i32
    %sub3A_220 = vector.broadcast %sub3A_219 : i32 to vector<1x128xi32>
    %sub3A_221 = arith.subi %div3A_194, %sub3A_220 : vector<1x128xi32>
    %select_n3A_222 = arith.select %and3A_218, %sub3A_221, %div3A_194 : vector<1x128xi1>, vector<1x128xi32>
    %iota3A_223 = tpu.iota {dimensions = array<i32: 1>} : vector<1x128xi32>
    %broadcast_in_dim3A_224 = arith.constant 0 : i32
    %broadcast_in_dim3A_225 = vector.broadcast %broadcast_in_dim3A_224 : i32 to vector<1x128xi32>
    %broadcast_in_dim3A_226 = arith.constant 0 : i32
    %broadcast_in_dim3A_227 = vector.broadcast %broadcast_in_dim3A_226 : i32 to vector<1x128xi32>
    %slice3A = vector.extract_strided_slice %select_n3A_191 {offsets = [0, 0], sizes = [1, 1], strides = [1, 1]} : vector<1x128xi32> to vector<1x1xi32>
    %squeeze3A = vector.extract %slice3A[0, 0] : i32 from vector<1x1xi32>
    %slice3A_228 = vector.extract_strided_slice %select_n3A_222 {offsets = [0, 0], sizes = [1, 1], strides = [1, 1]} : vector<1x128xi32> to vector<1x1xi32>
    %squeeze3A_229 = vector.extract %slice3A_228[0, 0] : i32 from vector<1x1xi32>
    %ge3A = vector.broadcast %squeeze3A : i32 to vector<1x128xi32>
    %ge3A_230 = arith.cmpi sge, %iota3A_223, %ge3A : vector<1x128xi32>
    %add3A_231 = arith.addi %squeeze3A, %squeeze3A_229 : i32
    %lt3A_232 = vector.broadcast %add3A_231 : i32 to vector<1x128xi32>
    %lt3A_233 = arith.cmpi slt, %iota3A_223, %lt3A_232 : vector<1x128xi32>
    %and3A_234 = arith.andi %ge3A_230, %lt3A_233 : vector<1x128xi1>
    %convert_element_type3A_235 = arith.extui %and3A_234 : vector<1x128xi1> to vector<1x128xi32>
    %mul3A_236 = arith.constant 0 : i32
    %mul3A_237 = vector.broadcast %mul3A_236 : i32 to vector<1x128xi32>
    %mul3A_238 = arith.muli %mul3A_237, %convert_element_type3A_235 : vector<1x128xi32>
    %add3A_239 = arith.addi %broadcast_in_dim3A_225, %mul3A_238 : vector<1x128xi32>
    %convert_element_type3A_240 = arith.extui %and3A_234 : vector<1x128xi1> to vector<1x128xi32>
    %add3A_241 = arith.addi %broadcast_in_dim3A_227, %convert_element_type3A_240 : vector<1x128xi32>
    %slice3A_242 = vector.extract_strided_slice %select_n3A_191 {offsets = [0, 1], sizes = [1, 1], strides = [1, 1]} : vector<1x128xi32> to vector<1x1xi32>
    %squeeze3A_243 = vector.extract %slice3A_242[0, 0] : i32 from vector<1x1xi32>
    %slice3A_244 = vector.extract_strided_slice %select_n3A_222 {offsets = [0, 1], sizes = [1, 1], strides = [1, 1]} : vector<1x128xi32> to vector<1x1xi32>
    %squeeze3A_245 = vector.extract %slice3A_244[0, 0] : i32 from vector<1x1xi32>
    %ge3A_246 = vector.broadcast %squeeze3A_243 : i32 to vector<1x128xi32>
    %ge3A_247 = arith.cmpi sge, %iota3A_223, %ge3A_246 : vector<1x128xi32>
    %add3A_248 = arith.addi %squeeze3A_243, %squeeze3A_245 : i32
    %lt3A_249 = vector.broadcast %add3A_248 : i32 to vector<1x128xi32>
    %lt3A_250 = arith.cmpi slt, %iota3A_223, %lt3A_249 : vector<1x128xi32>
    %and3A_251 = arith.andi %ge3A_247, %lt3A_250 : vector<1x128xi1>
    %convert_element_type3A_252 = arith.extui %and3A_251 : vector<1x128xi1> to vector<1x128xi32>
    %mul3A_253 = arith.constant 1 : i32
    %mul3A_254 = vector.broadcast %mul3A_253 : i32 to vector<1x128xi32>
    %mul3A_255 = arith.muli %mul3A_254, %convert_element_type3A_252 : vector<1x128xi32>
    %add3A_256 = arith.addi %add3A_239, %mul3A_255 : vector<1x128xi32>
    %convert_element_type3A_257 = arith.extui %and3A_251 : vector<1x128xi1> to vector<1x128xi32>
    %add3A_258 = arith.addi %add3A_241, %convert_element_type3A_257 : vector<1x128xi32>
    %slice3A_259 = vector.extract_strided_slice %select_n3A_191 {offsets = [0, 2], sizes = [1, 1], strides = [1, 1]} : vector<1x128xi32> to vector<1x1xi32>
    %squeeze3A_260 = vector.extract %slice3A_259[0, 0] : i32 from vector<1x1xi32>
    %slice3A_261 = vector.extract_strided_slice %select_n3A_222 {offsets = [0, 2], sizes = [1, 1], strides = [1, 1]} : vector<1x128xi32> to vector<1x1xi32>
    %squeeze3A_262 = vector.extract %slice3A_261[0, 0] : i32 from vector<1x1xi32>
    %ge3A_263 = vector.broadcast %squeeze3A_260 : i32 to vector<1x128xi32>
    %ge3A_264 = arith.cmpi sge, %iota3A_223, %ge3A_263 : vector<1x128xi32>
    %add3A_265 = arith.addi %squeeze3A_260, %squeeze3A_262 : i32
    %lt3A_266 = vector.broadcast %add3A_265 : i32 to vector<1x128xi32>
    %lt3A_267 = arith.cmpi slt, %iota3A_223, %lt3A_266 : vector<1x128xi32>
    %and3A_268 = arith.andi %ge3A_264, %lt3A_267 : vector<1x128xi1>
    %convert_element_type3A_269 = arith.extui %and3A_268 : vector<1x128xi1> to vector<1x128xi32>
    %mul3A_270 = arith.constant 2 : i32
    %mul3A_271 = vector.broadcast %mul3A_270 : i32 to vector<1x128xi32>
    %mul3A_272 = arith.muli %mul3A_271, %convert_element_type3A_269 : vector<1x128xi32>
    %add3A_273 = arith.addi %add3A_256, %mul3A_272 : vector<1x128xi32>
    %convert_element_type3A_274 = arith.extui %and3A_268 : vector<1x128xi1> to vector<1x128xi32>
    %add3A_275 = arith.addi %add3A_258, %convert_element_type3A_274 : vector<1x128xi32>
    %slice3A_276 = vector.extract_strided_slice %select_n3A_191 {offsets = [0, 3], sizes = [1, 1], strides = [1, 1]} : vector<1x128xi32> to vector<1x1xi32>
    %squeeze3A_277 = vector.extract %slice3A_276[0, 0] : i32 from vector<1x1xi32>
    %slice3A_278 = vector.extract_strided_slice %select_n3A_222 {offsets = [0, 3], sizes = [1, 1], strides = [1, 1]} : vector<1x128xi32> to vector<1x1xi32>
    %squeeze3A_279 = vector.extract %slice3A_278[0, 0] : i32 from vector<1x1xi32>
    %ge3A_280 = vector.broadcast %squeeze3A_277 : i32 to vector<1x128xi32>
    %ge3A_281 = arith.cmpi sge, %iota3A_223, %ge3A_280 : vector<1x128xi32>
    %add3A_282 = arith.addi %squeeze3A_277, %squeeze3A_279 : i32
    %lt3A_283 = vector.broadcast %add3A_282 : i32 to vector<1x128xi32>
    %lt3A_284 = arith.cmpi slt, %iota3A_223, %lt3A_283 : vector<1x128xi32>
    %and3A_285 = arith.andi %ge3A_281, %lt3A_284 : vector<1x128xi1>
    %convert_element_type3A_286 = arith.extui %and3A_285 : vector<1x128xi1> to vector<1x128xi32>
    %mul3A_287 = arith.constant 3 : i32
    %mul3A_288 = vector.broadcast %mul3A_287 : i32 to vector<1x128xi32>
    %mul3A_289 = arith.muli %mul3A_288, %convert_element_type3A_286 : vector<1x128xi32>
    %add3A_290 = arith.addi %add3A_273, %mul3A_289 : vector<1x128xi32>
    %convert_element_type3A_291 = arith.extui %and3A_285 : vector<1x128xi1> to vector<1x128xi32>
    %add3A_292 = arith.addi %add3A_275, %convert_element_type3A_291 : vector<1x128xi32>
    %slice3A_293 = vector.extract_strided_slice %select_n3A_191 {offsets = [0, 4], sizes = [1, 1], strides = [1, 1]} : vector<1x128xi32> to vector<1x1xi32>
    %squeeze3A_294 = vector.extract %slice3A_293[0, 0] : i32 from vector<1x1xi32>
    %slice3A_295 = vector.extract_strided_slice %select_n3A_222 {offsets = [0, 4], sizes = [1, 1], strides = [1, 1]} : vector<1x128xi32> to vector<1x1xi32>
    %squeeze3A_296 = vector.extract %slice3A_295[0, 0] : i32 from vector<1x1xi32>
    %ge3A_297 = vector.broadcast %squeeze3A_294 : i32 to vector<1x128xi32>
    %ge3A_298 = arith.cmpi sge, %iota3A_223, %ge3A_297 : vector<1x128xi32>
    %add3A_299 = arith.addi %squeeze3A_294, %squeeze3A_296 : i32
    %lt3A_300 = vector.broadcast %add3A_299 : i32 to vector<1x128xi32>
    %lt3A_301 = arith.cmpi slt, %iota3A_223, %lt3A_300 : vector<1x128xi32>
    %and3A_302 = arith.andi %ge3A_298, %lt3A_301 : vector<1x128xi1>
    %convert_element_type3A_303 = arith.extui %and3A_302 : vector<1x128xi1> to vector<1x128xi32>
    %mul3A_304 = arith.constant 4 : i32
    %mul3A_305 = vector.broadcast %mul3A_304 : i32 to vector<1x128xi32>
    %mul3A_306 = arith.muli %mul3A_305, %convert_element_type3A_303 : vector<1x128xi32>
    %add3A_307 = arith.addi %add3A_290, %mul3A_306 : vector<1x128xi32>
    %convert_element_type3A_308 = arith.extui %and3A_302 : vector<1x128xi1> to vector<1x128xi32>
    %add3A_309 = arith.addi %add3A_292, %convert_element_type3A_308 : vector<1x128xi32>
    %slice3A_310 = vector.extract_strided_slice %select_n3A_191 {offsets = [0, 5], sizes = [1, 1], strides = [1, 1]} : vector<1x128xi32> to vector<1x1xi32>
    %squeeze3A_311 = vector.extract %slice3A_310[0, 0] : i32 from vector<1x1xi32>
    %slice3A_312 = vector.extract_strided_slice %select_n3A_222 {offsets = [0, 5], sizes = [1, 1], strides = [1, 1]} : vector<1x128xi32> to vector<1x1xi32>
    %squeeze3A_313 = vector.extract %slice3A_312[0, 0] : i32 from vector<1x1xi32>
    %ge3A_314 = vector.broadcast %squeeze3A_311 : i32 to vector<1x128xi32>
    %ge3A_315 = arith.cmpi sge, %iota3A_223, %ge3A_314 : vector<1x128xi32>
    %add3A_316 = arith.addi %squeeze3A_311, %squeeze3A_313 : i32
    %lt3A_317 = vector.broadcast %add3A_316 : i32 to vector<1x128xi32>
    %lt3A_318 = arith.cmpi slt, %iota3A_223, %lt3A_317 : vector<1x128xi32>
    %and3A_319 = arith.andi %ge3A_315, %lt3A_318 : vector<1x128xi1>
    %convert_element_type3A_320 = arith.extui %and3A_319 : vector<1x128xi1> to vector<1x128xi32>
    %mul3A_321 = arith.constant 5 : i32
    %mul3A_322 = vector.broadcast %mul3A_321 : i32 to vector<1x128xi32>
    %mul3A_323 = arith.muli %mul3A_322, %convert_element_type3A_320 : vector<1x128xi32>
    %add3A_324 = arith.addi %add3A_307, %mul3A_323 : vector<1x128xi32>
    %convert_element_type3A_325 = arith.extui %and3A_319 : vector<1x128xi1> to vector<1x128xi32>
    %add3A_326 = arith.addi %add3A_309, %convert_element_type3A_325 : vector<1x128xi32>
    %slice3A_327 = vector.extract_strided_slice %select_n3A_191 {offsets = [0, 6], sizes = [1, 1], strides = [1, 1]} : vector<1x128xi32> to vector<1x1xi32>
    %squeeze3A_328 = vector.extract %slice3A_327[0, 0] : i32 from vector<1x1xi32>
    %slice3A_329 = vector.extract_strided_slice %select_n3A_222 {offsets = [0, 6], sizes = [1, 1], strides = [1, 1]} : vector<1x128xi32> to vector<1x1xi32>
    %squeeze3A_330 = vector.extract %slice3A_329[0, 0] : i32 from vector<1x1xi32>
    %ge3A_331 = vector.broadcast %squeeze3A_328 : i32 to vector<1x128xi32>
    %ge3A_332 = arith.cmpi sge, %iota3A_223, %ge3A_331 : vector<1x128xi32>
    %add3A_333 = arith.addi %squeeze3A_328, %squeeze3A_330 : i32
    %lt3A_334 = vector.broadcast %add3A_333 : i32 to vector<1x128xi32>
    %lt3A_335 = arith.cmpi slt, %iota3A_223, %lt3A_334 : vector<1x128xi32>
    %and3A_336 = arith.andi %ge3A_332, %lt3A_335 : vector<1x128xi1>
    %convert_element_type3A_337 = arith.extui %and3A_336 : vector<1x128xi1> to vector<1x128xi32>
    %mul3A_338 = arith.constant 6 : i32
    %mul3A_339 = vector.broadcast %mul3A_338 : i32 to vector<1x128xi32>
    %mul3A_340 = arith.muli %mul3A_339, %convert_element_type3A_337 : vector<1x128xi32>
    %add3A_341 = arith.addi %add3A_324, %mul3A_340 : vector<1x128xi32>
    %convert_element_type3A_342 = arith.extui %and3A_336 : vector<1x128xi1> to vector<1x128xi32>
    %add3A_343 = arith.addi %add3A_326, %convert_element_type3A_342 : vector<1x128xi32>
    %slice3A_344 = vector.extract_strided_slice %select_n3A_191 {offsets = [0, 7], sizes = [1, 1], strides = [1, 1]} : vector<1x128xi32> to vector<1x1xi32>
    %squeeze3A_345 = vector.extract %slice3A_344[0, 0] : i32 from vector<1x1xi32>
    %slice3A_346 = vector.extract_strided_slice %select_n3A_222 {offsets = [0, 7], sizes = [1, 1], strides = [1, 1]} : vector<1x128xi32> to vector<1x1xi32>
    %squeeze3A_347 = vector.extract %slice3A_346[0, 0] : i32 from vector<1x1xi32>
    %ge3A_348 = vector.broadcast %squeeze3A_345 : i32 to vector<1x128xi32>
    %ge3A_349 = arith.cmpi sge, %iota3A_223, %ge3A_348 : vector<1x128xi32>
    %add3A_350 = arith.addi %squeeze3A_345, %squeeze3A_347 : i32
    %lt3A_351 = vector.broadcast %add3A_350 : i32 to vector<1x128xi32>
    %lt3A_352 = arith.cmpi slt, %iota3A_223, %lt3A_351 : vector<1x128xi32>
    %and3A_353 = arith.andi %ge3A_349, %lt3A_352 : vector<1x128xi1>
    %convert_element_type3A_354 = arith.extui %and3A_353 : vector<1x128xi1> to vector<1x128xi32>
    %mul3A_355 = arith.constant 7 : i32
    %mul3A_356 = vector.broadcast %mul3A_355 : i32 to vector<1x128xi32>
    %mul3A_357 = arith.muli %mul3A_356, %convert_element_type3A_354 : vector<1x128xi32>
    %add3A_358 = arith.addi %add3A_341, %mul3A_357 : vector<1x128xi32>
    %convert_element_type3A_359 = arith.extui %and3A_353 : vector<1x128xi1> to vector<1x128xi32>
    %add3A_360 = arith.addi %add3A_343, %convert_element_type3A_359 : vector<1x128xi32>
    %mul3A_361 = arith.muli %add3A_358, %add3A_360 : vector<1x128xi32>
    %reduce_max3A_362 = vector.shape_cast %mul3A_361 : vector<1x128xi32> to vector<1x1x128xi32>
    %reduce_max3A_363 = arith.constant dense<-2147483648> : vector<1xi32>
    %reduce_max3A_364 = vector.multi_reduction <maxsi>, %reduce_max3A_362, %reduce_max3A_363 [1, 2] : vector<1x1x128xi32> to vector<1xi32>
    %reduce_max3A_365 = vector.shape_cast %reduce_max3A_364 : vector<1xi32> to vector<1x1x1xi32>
    %reduce_max3A_366 = vector.extract %reduce_max3A_365[0, 0, 0] : i32 from vector<1x1x1xi32>
    %eq3A_367 = arith.constant 1 : i32
    %eq3A_368 = vector.broadcast %eq3A_367 : i32 to vector<1x128xi32>
    %eq3A_369 = arith.cmpi eq, %add3A_360, %eq3A_368 : vector<1x128xi32>
    %broadcast_in_dim3A_370 = vector.broadcast %reduce_max3A_366 : i32 to vector<1x128xi32>
    %select_n3A_371 = arith.select %eq3A_369, %add3A_358, %broadcast_in_dim3A_370 : vector<1x128xi1>, vector<1x128xi32>
    %swap3A_372 = arith.constant 0 : index
    %swap3A_373 = arith.constant 0 : index
    %swap3A_374 = vector.load %arg4[%swap3A_372, %swap3A_373] : memref<1x128xi32, #tpu.memory_space<vmem>>, vector<1x128xi32>
    tpu.vector_store %arg4[%swap3A_372, %swap3A_373], %select_n3A_371 {strides = array<i32>} : memref<1x128xi32, #tpu.memory_space<vmem>>, vector<1x128xi32>,
    %swap3A_375 = arith.constant 0 : index
    %swap3A_376 = arith.constant 0 : index
    %swap3A_377 = vector.load %arg5[%swap3A_375, %swap3A_376] : memref<1x128xi32, #tpu.memory_space<vmem>>, vector<1x128xi32>
    tpu.vector_store %arg5[%swap3A_375, %swap3A_376], %add3A_360 {strides = array<i32>} : memref<1x128xi32, #tpu.memory_space<vmem>>, vector<1x128xi32>,
    return
  }
}

module attributes {stable_mosaic.version = 14 : i64} {
  func.func @_ffn_body(%arg0: i32, %arg1: memref<1x128xi32, #tpu.memory_space<smem>>, %arg2: memref<1x128xi32, #tpu.memory_space<smem>>, %arg3: memref<256x1024xf32, #tpu.memory_space<vmem>>, %arg4: memref<256x128xf32, #tpu.memory_space<vmem>>, %arg5: memref<1x4096x1024xf32, #tpu.memory_space<vmem>>, %arg6: memref<1x1024x2048xf32, #tpu.memory_space<vmem>>, %arg7: memref<256x1024xf32, #tpu.memory_space<vmem>>, %arg8: memref<1024x512xbf16, #tpu.memory_space<vmem>>) attributes {dimension_semantics = [#tpu.dimension_semantics<arbitrary>], iteration_bounds = array<i64: 23>, scalar_prefetch = 2 : i64, scratch_operands = 1 : i64, tpu.core_type = #tpu.core_type<tc>, window_params = [{transform_indices = @transform_0, window_bounds = array<i64: 256, 1024>}, {transform_indices = @transform_1, window_bounds = array<i64: 256, 128>}, {transform_indices = @transform_2, window_bounds = array<i64: 1, 4096, 1024>}, {transform_indices = @transform_3, window_bounds = array<i64: 1, 1024, 2048>}, {transform_indices = @transform_4, window_bounds = array<i64: 256, 1024>}]} {
    %eq3A = arith.constant 0 : i32
    %eq3A_0 = arith.cmpi eq, %arg0, %eq3A : i32
    %convert_element_type3A = arith.extui %eq3A_0 : i1 to i32
    %cond3A = arith.constant 0 : i32
    %cond3A_1 = arith.cmpi ne, %convert_element_type3A, %cond3A : i32
    scf.if %cond3A_1 {
      %iota3A = tpu.iota {dimensions = array<i32: 0>} : vector<1024x512xi32>
      %iota3A_9 = tpu.iota {dimensions = array<i32: 1>} : vector<1024x512xi32>
      %mul3A = arith.constant 2 : i32
      %mul3A_10 = vector.broadcast %mul3A : i32 to vector<1024x512xi32>
      %mul3A_11 = arith.muli %mul3A_10, %iota3A_9 : vector<1024x512xi32>
      %add3A = arith.constant 1 : i32
      %add3A_12 = vector.broadcast %add3A : i32 to vector<1024x512xi32>
      %add3A_13 = arith.addi %mul3A_11, %add3A_12 : vector<1024x512xi32>
      %eq3A_14 = arith.cmpi eq, %iota3A, %add3A_13 : vector<1024x512xi32>
      %convert_element_type3A_15 = arith.extui %eq3A_14 : vector<1024x512xi1> to vector<1024x512xi32>
      %convert_element_type3A_16 = arith.sitofp %convert_element_type3A_15 : vector<1024x512xi32> to vector<1024x512xf32>
      %convert_element_type3A_17 = arith.truncf %convert_element_type3A_16 : vector<1024x512xf32> to vector<1024x512xbf16>
      %swap3A = arith.constant 0 : index
      %swap3A_18 = arith.constant 0 : index
      %swap3A_19 = vector.load %arg8[%swap3A, %swap3A_18] : memref<1024x512xbf16, #tpu.memory_space<vmem>>, vector<1024x512xbf16>
      tpu.vector_store %arg8[%swap3A, %swap3A_18], %convert_element_type3A_17 {strides = array<i32>} : memref<1024x512xbf16, #tpu.memory_space<vmem>>, vector<1024x512xbf16>,
    } else {
    }
    %get3A = arith.constant 0 : index
    %get3A_2 = arith.index_cast %arg0 : i32 to index
    %get3A_3 = memref.load %arg2[%get3A, %get3A_2] : memref<1x128xi32, #tpu.memory_space<smem>>
    %eq3A_4 = arith.constant 1 : i32
    %eq3A_5 = arith.cmpi eq, %get3A_3, %eq3A_4 : i32
    %convert_element_type3A_6 = arith.extui %eq3A_5 : i1 to i32
    %cond3A_7 = arith.constant 0 : i32
    %cond3A_8 = arith.cmpi ne, %convert_element_type3A_6, %cond3A_7 : i32
    scf.if %cond3A_8 {
      %get3A_9 = arith.constant 0 : index
      %get3A_10 = arith.constant 0 : index
      %get3A_11 = vector.load %arg3[%get3A_9, %get3A_10] : memref<256x1024xf32, #tpu.memory_space<vmem>>, vector<256x1024xf32>
      %convert_element_type3A_12 = arith.truncf %get3A_11 : vector<256x1024xf32> to vector<256x1024xbf16>
      %get3A_13 = arith.constant 0 : index
      %get3A_14 = arith.constant 0 : index
      %get3A_15 = arith.constant 0 : index
      %get3A_16 = vector.load %arg5[%get3A_13, %get3A_14, %get3A_15] : memref<1x4096x1024xf32, #tpu.memory_space<vmem>>, vector<1x4096x1024xf32>
      %get3A_17 = vector.shape_cast %get3A_16 : vector<1x4096x1024xf32> to vector<4096x1024xf32>
      %convert_element_type3A_18 = arith.truncf %get3A_17 : vector<4096x1024xf32> to vector<4096x1024xbf16>
      %dot_general3A = arith.constant dense<0.000000e+00> : vector<256x4096xf32>
      %dot_general3A_19 = tpu.matmul %convert_element_type3A_12, %convert_element_type3A_18, %dot_general3A {dimension_numbers = #tpu.dot_dimension_numbers<[1], [1], [0], [0], [0, 0, 1, 0], [], []>, transpose_lhs_hint = false} : vector<256x1024xbf16>, vector<4096x1024xbf16>, vector<256x4096xf32> -> vector<256x4096xf32>
      %logistic3A = arith.negf %dot_general3A_19 : vector<256x4096xf32>
      %logistic3A_20 = math.exp %logistic3A : vector<256x4096xf32>
      %logistic3A_21 = arith.constant 1.000000e+00 : f32
      %logistic3A_22 = vector.broadcast %logistic3A_21 : f32 to vector<256x4096xf32>
      %logistic3A_23 = arith.addf %logistic3A_22, %logistic3A_20 : vector<256x4096xf32>
      %logistic3A_24 = arith.divf %logistic3A_22, %logistic3A_23 : vector<256x4096xf32>
      %mul3A = arith.mulf %dot_general3A_19, %logistic3A_24 : vector<256x4096xf32>
      %roll3A = arith.constant 1 : i32
      %roll3A_25 = tpu.dynamic_rotate %mul3A by %roll3A dim 1 : vector<256x4096xf32>, i32 -> vector<256x4096xf32>
      %mul3A_26 = arith.mulf %roll3A_25, %dot_general3A_19 : vector<256x4096xf32>
      %convert_element_type3A_27 = arith.truncf %mul3A_26 : vector<256x4096xf32> to vector<256x4096xbf16>
      %get3A_28 = arith.constant 0 : index
      %get3A_29 = arith.constant 0 : index
      %get3A_30 = vector.load %arg8[%get3A_28, %get3A_29] : memref<1024x512xbf16, #tpu.memory_space<vmem>>, vector<1024x512xbf16>
      %slice3A = vector.extract_strided_slice %convert_element_type3A_27 {offsets = [0, 0], sizes = [256, 1024], strides = [1, 1]} : vector<256x4096xbf16> to vector<256x1024xbf16>
      %dot_general3A_31 = arith.constant dense<0.000000e+00> : vector<256x512xf32>
      %dot_general3A_32 = tpu.matmul %slice3A, %get3A_30, %dot_general3A_31 {dimension_numbers = #tpu.dot_dimension_numbers<[1], [0], [0], [1], [0, 0, 1, 1], [], []>, transpose_lhs_hint = false} : vector<256x1024xbf16>, vector<1024x512xbf16>, vector<256x512xf32> -> vector<256x512xf32>
      %slice3A_33 = vector.extract_strided_slice %convert_element_type3A_27 {offsets = [0, 1024], sizes = [256, 1024], strides = [1, 1]} : vector<256x4096xbf16> to vector<256x1024xbf16>
      %dot_general3A_34 = arith.constant dense<0.000000e+00> : vector<256x512xf32>
      %dot_general3A_35 = tpu.matmul %slice3A_33, %get3A_30, %dot_general3A_34 {dimension_numbers = #tpu.dot_dimension_numbers<[1], [0], [0], [1], [0, 0, 1, 1], [], []>, transpose_lhs_hint = false} : vector<256x1024xbf16>, vector<1024x512xbf16>, vector<256x512xf32> -> vector<256x512xf32>
      %slice3A_36 = vector.extract_strided_slice %convert_element_type3A_27 {offsets = [0, 2048], sizes = [256, 1024], strides = [1, 1]} : vector<256x4096xbf16> to vector<256x1024xbf16>
      %dot_general3A_37 = arith.constant dense<0.000000e+00> : vector<256x512xf32>
      %dot_general3A_38 = tpu.matmul %slice3A_36, %get3A_30, %dot_general3A_37 {dimension_numbers = #tpu.dot_dimension_numbers<[1], [0], [0], [1], [0, 0, 1, 1], [], []>, transpose_lhs_hint = false} : vector<256x1024xbf16>, vector<1024x512xbf16>, vector<256x512xf32> -> vector<256x512xf32>
      %slice3A_39 = vector.extract_strided_slice %convert_element_type3A_27 {offsets = [0, 3072], sizes = [256, 1024], strides = [1, 1]} : vector<256x4096xbf16> to vector<256x1024xbf16>
      %dot_general3A_40 = arith.constant dense<0.000000e+00> : vector<256x512xf32>
      %dot_general3A_41 = tpu.matmul %slice3A_39, %get3A_30, %dot_general3A_40 {dimension_numbers = #tpu.dot_dimension_numbers<[1], [0], [0], [1], [0, 0, 1, 1], [], []>, transpose_lhs_hint = false} : vector<256x1024xbf16>, vector<1024x512xbf16>, vector<256x512xf32> -> vector<256x512xf32>
      %concatenate3A = tpu.concatenate %dot_general3A_32, %dot_general3A_35, %dot_general3A_38, %dot_general3A_41 in 1 : vector<256x512xf32>, vector<256x512xf32>, vector<256x512xf32>, vector<256x512xf32> -> vector<256x2048xf32>
      %convert_element_type3A_42 = arith.truncf %concatenate3A : vector<256x2048xf32> to vector<256x2048xbf16>
      %get3A_43 = arith.constant 0 : index
      %get3A_44 = arith.constant 0 : index
      %get3A_45 = arith.constant 0 : index
      %get3A_46 = vector.load %arg6[%get3A_43, %get3A_44, %get3A_45] : memref<1x1024x2048xf32, #tpu.memory_space<vmem>>, vector<1x1024x2048xf32>
      %get3A_47 = vector.shape_cast %get3A_46 : vector<1x1024x2048xf32> to vector<1024x2048xf32>
      %convert_element_type3A_48 = arith.truncf %get3A_47 : vector<1024x2048xf32> to vector<1024x2048xbf16>
      %dot_general3A_49 = arith.constant dense<0.000000e+00> : vector<256x1024xf32>
      %dot_general3A_50 = tpu.matmul %convert_element_type3A_42, %convert_element_type3A_48, %dot_general3A_49 {dimension_numbers = #tpu.dot_dimension_numbers<[1], [1], [0], [0], [0, 0, 1, 0], [], []>, transpose_lhs_hint = false} : vector<256x2048xbf16>, vector<1024x2048xbf16>, vector<256x1024xf32> -> vector<256x1024xf32>
      %get3A_51 = arith.constant 0 : index
      %get3A_52 = arith.constant 0 : index
      %get3A_53 = vector.load %arg4[%get3A_51, %get3A_52] : memref<256x128xf32, #tpu.memory_space<vmem>>, vector<256x1xf32>
      %mul3A_54 = vector.broadcast %get3A_53 : vector<256x1xf32> to vector<256x1024xf32>
      %mul3A_55 = arith.mulf %dot_general3A_50, %mul3A_54 : vector<256x1024xf32>
      %swap3A = arith.constant 0 : index
      %swap3A_56 = arith.constant 0 : index
      %swap3A_57 = vector.load %arg7[%swap3A, %swap3A_56] : memref<256x1024xf32, #tpu.memory_space<vmem>>, vector<256x1024xf32>
      tpu.vector_store %arg7[%swap3A, %swap3A_56], %mul3A_55 {strides = array<i32>} : memref<256x1024xf32, #tpu.memory_space<vmem>>, vector<256x1024xf32>,
    } else {
    }
    return
  }
  func.func @transform_0(%arg0: i32, %arg1: memref<1x128xi32, #tpu.memory_space<smem>>, %arg2: memref<1x128xi32, #tpu.memory_space<smem>>) -> (i32, i32) {
    %c0_i32 = arith.constant 0 : i32
    %c0_i32_0 = arith.constant 0 : i32
    return %arg0, %c0_i32 : i32, i32
  }
  func.func @transform_1(%arg0: i32, %arg1: memref<1x128xi32, #tpu.memory_space<smem>>, %arg2: memref<1x128xi32, #tpu.memory_space<smem>>) -> (i32, i32) {
    %c0_i32 = arith.constant 0 : i32
    %c0_i32_0 = arith.constant 0 : i32
    return %arg0, %c0_i32 : i32, i32
  }
  func.func @transform_2(%arg0: i32, %arg1: memref<1x128xi32, #tpu.memory_space<smem>>, %arg2: memref<1x128xi32, #tpu.memory_space<smem>>) -> (i32, i32, i32) {
    %get3A = arith.constant 0 : index
    %get3A_0 = arith.index_cast %arg0 : i32 to index
    %get3A_1 = memref.load %arg1[%get3A, %get3A_0] : memref<1x128xi32, #tpu.memory_space<smem>>
    %c0_i32 = arith.constant 0 : i32
    %c0_i32_2 = arith.constant 0 : i32
    %c0_i32_3 = arith.constant 0 : i32
    return %get3A_1, %c0_i32, %c0_i32_2 : i32, i32, i32
  }
  func.func @transform_3(%arg0: i32, %arg1: memref<1x128xi32, #tpu.memory_space<smem>>, %arg2: memref<1x128xi32, #tpu.memory_space<smem>>) -> (i32, i32, i32) {
    %get3A = arith.constant 0 : index
    %get3A_0 = arith.index_cast %arg0 : i32 to index
    %get3A_1 = memref.load %arg1[%get3A, %get3A_0] : memref<1x128xi32, #tpu.memory_space<smem>>
    %c0_i32 = arith.constant 0 : i32
    %c0_i32_2 = arith.constant 0 : i32
    %c0_i32_3 = arith.constant 0 : i32
    return %get3A_1, %c0_i32, %c0_i32_2 : i32, i32, i32
  }
  func.func @transform_4(%arg0: i32, %arg1: memref<1x128xi32, #tpu.memory_space<smem>>, %arg2: memref<1x128xi32, #tpu.memory_space<smem>>) -> (i32, i32) {
    %c0_i32 = arith.constant 0 : i32
    %c0_i32_0 = arith.constant 0 : i32
    return %arg0, %c0_i32 : i32, i32
  }
}

</mosaic_0001>

<sc_bundles>
// kernel: kernel.6.cloned.1.call-start
scs
__scs_entry_jumppad:
0x0: {  	(pc) =	sbr.rel $0x88, $3  }
0x1: {  	(tag) =	ssettag $0x0;
	lr =	simm.s32 $0x1  }
0x2: {  	[smem:$0x3F9D] =	sst lr;
	_ =	strace $0xD0000000  }
0x3: {  	_ = 	snop  }
0x4: {  	_ = 	snop  }
0x5: {  	_ = 	snop  }
0x6: {  	_ = 	snop  }
0x7: {  	_ = 	snop  }
__scs_overlays_trampoline_lowered:
0x8: {  	[smem:$0x3FAC] =	sst s0  }
0x9: {  	[smem:$0x3FAD] =	sst s1  }
0xa: {  	[smem:$0x3FAE] =	sst s2  }
0xb: {  	[smem:$0x3FAF] =	sst s3  }
0xc: {  	[smem:$0x3FB0] =	sst s4  }
0xd: {  	[smem:$0x3FB1] =	sst s5  }
0xe: {  	[smem:$0x3FB2] =	sst s6  }
0xf: {  	[smem:$0x3FB3] =	sst s7  }
0x10: {  	[smem:$0x3FB4] =	sst s8  }
0x11: {  	[smem:$0x3FB5] =	sst s9;
	s0 =	simm.s32 @!p0 $0x0  }
0x12: {  	s1 =	sld [smem:$0x3F9B];
	s0 =	simm.s32 @p0 $0x1  }
0x13: {  	[smem:$0x3FB6] =	sst s0;
	s0 =	simm.s32 @!p1 $0x0  }
0x14: {  	s2 =	sld [smem:$0x3F9A];
	s0 =	simm.s32 @p1 $0x1  }
0x15: {  	[smem:$0x3FB7] =	sst s0;
	s0 =	simm.s32 @!p2 $0x0  }
0x16: {  	s3 =	sld [smem:$0x3FDB];
	s0 =	simm.s32 @p2 $0x1  }
0x17: {  	s4 =	simm.s32 $0x1BF5;
	[smem:$0x3FB9] =	sst s0  }
0x18: {  	s0 =	sld [smem:$0x3F9C];
	_ =	swait.ge [sflag:s4], $0x0  }
0x19: {  	s7 =	sld [smem:$0x3F9D]  }
0x1a: {  	s8 =	sadd.s32 $0xFFFFE003, lr  }
0x1b: {  	s9 =	sadd.s32 $0xFFFFFEF7, lr;
	s5 =	simm.s32 $0xFFFFFFFF;
	p2 =	slt.u32 s8, $0xFFFFF086  }
0x1c: {  	p1 =	slt.u32 s9, $0xF7A;
	s5 =	simm.s32 @!p2 $0x0  }
0x1d: {  	s5 =	simm.s32 @p1 $0x1;
	p0 =	seq.s32 s7, s2  }
0x1e: {  	s7 =	smul.u32 @!p0 $0xF7A, s2;
	p2 =	seq.s32 @!p0 s5, $0x0  }
0x1f: {  	s9 =	smul.u32 $0xF7A, s1;
	s8 =	simm.s32 @!p0 $0x1BF5;
	p2 =	por !p2, p0  }
0x20: {  	[sflag:s8] =	ssyncset.s32 @!p0 $0xFFFFF086;
	s6 =	sadd.s32 @!p0 s3, s7;
	s7 =	simm.s32 @!p0 $0x108  }
0x21: {  	s3 =	sadd.s32 s3, s9;
	s6 =	sadd.s32 @!p0 $0x88, s6;
	s7 =	simm.s32 @p2 $0x1082  }
0x22: {  	[simem:s7], [sflag:s8] =	dma.local @!p0 [hbm:s6], $0xF7A  }
0x23: {  	s9 =	sor.u32 $0xD0000000, s2;
	s6 =	simm.s32 $0x108;
	_ =	swait.ge @!p0 [sflag:s8], $0x0  }
0x24: {  	s3 =	sadd.s32 $0x88, s3;
	s6 =	simm.s32 @!p1 $0x1082;
	[sflag:s4] =	ssyncset.s32 $0xFFFFF086  }
0x25: {  	[simem:s6], [sflag:s4] =	dma.local [hbm:s3], $0xF7A  }
0x26: {  	[smem:$0x3F9D] =	sst s1;
	(tag) =	ssettag s2;
	_ =	strace s9  }
0x27: {  	s1 =	sld [smem:$0x3FAD]  }
0x28: {  	s2 =	sld [smem:$0x3FAE]  }
0x29: {  	s4 =	sld [smem:$0x3FB0]  }
0x2a: {  	p0 =	seq.s32 s5, $0x0;
	s5 =	sld [smem:$0x3FB1]  }
0x2b: {  	s6 =	sld [smem:$0x3FB2]  }
0x2c: {  	s7 =	sld [smem:$0x3FB3]  }
0x2d: {  	s3 =	simm.s32 $0x108;
	s8 =	sld [smem:$0x3FB4]  }
0x2e: {  	s3 =	simm.s32 @!p0 $0x1082;
	s9 =	sld [smem:$0x3FB5]  }
0x2f: {  	lr =	sadd.s32 s0, s3;
	s0 =	sld [smem:$0x3FAC]  }
0x30: {  	s3 =	sld [smem:$0x3FAF]  }
0x31: {  	[smem:$0x3FB8] =	sst s10  }
0x32: {  	s10 =	sld [smem:$0x3FB6];
	_ =	sdelay $0x3  }
0x33: {  	p0 =	seq.s32 s10, $0x1;
	s10 =	sld [smem:$0x3FB8];
	_ =	sdelay $0x3  }
0x34: {  	[smem:$0x3FB8] =	sst s10  }
0x35: {  	s10 =	sld [smem:$0x3FB7];
	_ =	sdelay $0x3  }
0x36: {  	p1 =	seq.s32 s10, $0x1;
	s10 =	sld [smem:$0x3FB8];
	_ =	sdelay $0x3  }
0x37: {  	[smem:$0x3FB8] =	sst s10  }
0x38: {  	s10 =	sld [smem:$0x3FB9]  }
0x39: {  	_ = 	snop;
	(pc) =	sbr.ind lr, $3  }
0x3a: {  	_ = 	snop  }
0x3b: {  	_ = 	snop  }
0x3c: {  	p2 =	seq.s32 s10, $0x1;
	s10 =	sld [smem:$0x3FB8]  }
0x3d: {  	_ =	shalt  }
0x3e: {  	_ =	shalt  }
0x3f: {  	_ =	shalt  }
0x40: {  	_ =	shalt  }
0x41: {  	_ =	shalt  }
0x42: {  	_ =	shalt  }
0x43: {  	_ =	shalt  }
0x44: {  	_ =	shalt  }
0x45: {  	_ =	shalt  }
0x46: {  	_ =	shalt  }
0x47: {  	_ =	shalt  }
0x48: {  	_ =	shalt  }
0x49: {  	_ =	shalt  }
0x4a: {  	_ =	shalt  }
0x4b: {  	_ =	shalt  }
0x4c: {  	_ =	shalt  }
0x4d: {  	_ =	shalt  }
0x4e: {  	_ =	shalt  }
0x4f: {  	_ =	shalt  }
0x50: {  	_ =	shalt  }
0x51: {  	_ =	shalt  }
0x52: {  	_ =	shalt  }
0x53: {  	_ =	shalt  }
0x54: {  	_ =	shalt  }
0x55: {  	_ =	shalt  }
0x56: {  	_ =	shalt  }
0x57: {  	_ =	shalt  }
0x58: {  	_ =	shalt  }
0x59: {  	_ =	shalt  }
0x5a: {  	_ =	shalt  }
0x5b: {  	_ =	shalt  }
0x5c: {  	_ =	shalt  }
0x5d: {  	_ =	shalt  }
0x5e: {  	_ =	shalt  }
0x5f: {  	_ =	shalt  }
0x60: {  	_ =	shalt  }
0x61: {  	_ =	shalt  }
0x62: {  	_ =	shalt  }
0x63: {  	_ =	shalt  }
0x64: {  	_ =	shalt  }
0x65: {  	_ =	shalt  }
0x66: {  	_ =	shalt  }
0x67: {  	_ =	shalt  }
0x68: {  	_ =	shalt  }
0x69: {  	_ =	shalt  }
0x6a: {  	_ =	shalt  }
0x6b: {  	_ =	shalt  }
0x6c: {  	_ =	shalt  }
0x6d: {  	_ =	shalt  }
0x6e: {  	_ =	shalt  }
0x6f: {  	_ =	shalt  }
0x70: {  	_ =	shalt  }
0x71: {  	_ =	shalt  }
0x72: {  	_ =	shalt  }
0x73: {  	_ =	shalt  }
0x74: {  	_ =	shalt  }
0x75: {  	_ =	shalt  }
0x76: {  	_ =	shalt  }
0x77: {  	_ =	shalt  }
0x78: {  	_ =	shalt  }
0x79: {  	_ =	shalt  }
0x7a: {  	_ =	shalt  }
0x7b: {  	_ =	shalt  }
0x7c: {  	_ =	shalt  }
0x7d: {  	_ =	shalt  }
0x7e: {  	_ =	shalt  }
0x7f: {  	_ =	shalt  }
0x80: {  	_ =	shalt  }
0x81: {  	_ =	shalt  }
0x82: {  	_ =	shalt  }
0x83: {  	_ =	shalt  }
0x84: {  	_ =	shalt  }
0x85: {  	_ =	shalt  }
0x86: {  	_ =	shalt  }
0x87: {  	_ =	shalt  }
.Lfunc_end0:
.L_simem_size_0:
called_computation_lowered:
.L_overlay_start_0:
0x88: {  	s2 =	sld [smem:$0x3FD9]  }
0x89: {  	s3 =	sld [smem:$0x3FFE];
	_ =	sdelay $0x1  }
0x8a: {  	s1 =	srdreg.scid  }
0x8b: {  	s0 =	sand.u32 $0x1, s1  }
0x8c: {  	s17 =	sshll.u32 s0, $0xA;
	s2 =	sadd.s32 s3, s2  }
0x8d: {  	s2 =	sadd.s32 s2, s17  }
0x8e: {  	[smem:$0x3FC4] =	sst s2  }
0x8f: {  	_ = 	snop  }
0x90: {  	s2 =	sld [smem:$0x3FC9]  }
0x91: {  	s18 =	sld [smem:$0x3FD0];
	(tm) =	ssettm $0x1  }
0x92: {  	s4 =	sld [smem:$0x3FFB];
	_ =	sdelay $0x3  }
0x93: {  	_ =	strace s4  }
0x94: {  	s4 =	sld [smem:$0x3FFC];
	_ =	sdelay $0x3  }
0x95: {  	_ =	strace s4  }
0x96: {  	s4 =	sld [smem:$0x3FFD];
	_ =	sdelay $0x3  }
0x97: {  	_ =	strace s4  }
0x98: {  	_ =	strace $0x8FFFFFFF  }
0x99: {  	s19 =	sld [smem:$0x3FDB];
	_ =	sdelay $0x1  }
0x9a: {  	s5 =	simm.s32 $_scs_section_size  }
0x9b: {  	s6 =	simm.s32 $_size__tile_overlayer_lowered;
	s7 =	simm.s32 $_tile_overlayer_lowered  }
0x9c: {  	s22 =	simm.s32 $0x1BFF;
	s21 =	sshll.u32 s7, $0x1;
	s4 =	sadd.s32 s5, s19  }
0x9d: {  	s8 =	simm.s32 $0x0;
	s20 =	sshll.u32 s6, $0x1;
	s6 =	sadd.s32 s21, s4  }
0x9e: {  	[timem:s8], [sflag:s22] =	dma.local [hbm:s6], s20  }
0x9f: {  	_ =	swait.ge [sflag:s22], s20  }
0xa0: {  	s5 =	ssub.s32 $0x0, s20;
	[sflag:s22] =	ssyncset.done $0x0  }
0xa1: {  	[sflag:s22] =	ssyncadd.s32 s5;
	_ =	sdelay $0x1  }
0xa2: {  	s23 =	simm.s32 $0x1B8B  }
0xa3: {  	_ =	swait.ge [sflag:s23], $0x1  }
0xa4: {  	[sflag:s23] =	ssyncset.done $0x0  }
0xa5: {  	s25 =	simm.s32 $0x1B8E;
	s24 =	sld [smem:$0x3FFE];
	[sflag:s23] =	ssyncadd.s32 $0xFFFFFFFF  }
0xa6: {  	s26 =	simm.s32 $execute0_lowered;
	[smem:$0x3FD2] =	sst s25  }
0xa7: {  	s6 =	sshll.u32 s26, $0x1;
	_ =	strace $0x80000046;
	[dreg:$0x1] =	wrdreg $0xFFFFFFFF  }
0xa8: {  	s28 =	simm.s32 $_size_execute0_lowered;
	s4 =	sadd.s32 s4, s6;
	[dreg:$0x0] =	wrdreg $0x0  }
0xa9: {  	s6 =	sshll.u32 s28, $0x1;
	[dreg:$0x2] =	wrdreg s4  }
0xaa: {  	[dreg:$0x3] =	wrdreg s6  }
0xab: {  	[dreg:$0x4] =	wrdreg $0xC0  }
0xac: {  	_ =	task [dreg:s8], $0x5FFFF  }
0xad: {  	[dreg:$0x1] =	wrdreg $0xFFFFFFFF  }
0xae: {  	[dreg:$0x0] =	wrdreg $0x60  }
0xaf: {  	[dreg:$0x2] =	wrdreg s2  }
0xb0: {  	[dreg:$0x3] =	wrdreg s24  }
0xb1: {  	[dreg:$0x4] =	wrdreg s18  }
0xb2: {  	[dreg:$0x5] =	wrdreg $0x9  }
0xb3: {  	_ =	task.clear_ibuf [dreg:s8], $0x6FFFF;
	_ =	strace $0x90000046  }
0xb4: {  	s29 =	simm.s32 $0x9;
	_ =	strace $0x80000048  }
0xb5: {  	_ =	swait.ge [sflag:s29], $0x1  }
0xb6: {  	[sflag:s29] =	ssyncadd.s32 $0xFFFFFFFF  }
0xb7: {  	_ =	strace $0x90000048  }
0xb8: {  	_ =	sfence  }
0xb9: {  	s30 =	sld [smem:$0x0];
	_ =	sdelay $0x2  }
0xba: {  	s31 =	sshll.u32 s1, $0xD;
	s1 =	sshrl.u32 s1, $0x2  }
0xbb: {  	s3 =	sand.u32 $0x4000, s31;
	s1 =	sadd.s32 s1, s30  }
0xbc: {  	s0 =	sor.u32 s3, s0;
	s1 =	sshll.u32 s1, $0x11  }
0xbd: {  	s0 =	sor.u32 s1, s0  }
0xbe: {  	s0 =	sadd.s32 $0x8F2B, s0  }
0xbf: {  	[sflag:s0] =	ssyncadd.remote.s32 $0x1  }
0xc0: {  	_ =	sfence.sel $0xFFFF  }
0xc1: {  	[dreg:$0x0] =	wrdreg $0xFFFFFFFF;
	(pc) =	sbr.abs _section_cstart, $3  }
0xc2: {  	[dreg:$0x1] =	wrdreg $0xFFFFFFFF  }
0xc3: {  	_ =	task.clear_ibuf [dreg:s8], $0x2FFFF;
	_ =	strace $0x9FFFFFFF  }
0xc4: {  	(tm) =	ssettm $0x7FFFFFFF  }
0xc5: {  	_ =	shalt  }
tec
execute0_lowered:
.L_overlay_start_1:
0x0: {  	(tag) =	ssettag $0x1  }
0x1: {  	s0 =	rddreg [dreg:$0x0]  }
0x2: {  	s1 =	rddreg [dreg:$0x1];
	s2 =	srdreg.scid  }
0x3: {  	s3 =	stileid.u32;
	s9 =	simm.s32 $0x5;
	s10 =	simm.s32 $0x2800  }
0x4: {  	s11 =	simm.s32 $0x3000;
	s12 =	simm.s32 $0x3800;
	s13 =	simm.s32 $0x4000  }
0x5: {  	s14 =	simm.s32 $0x4800;
	s15 =	simm.s32 $0x5000;
	s16 =	simm.s32 $0x5800  }
0x6: {  	s17 =	simm.s32 $0x6000;
	s18 =	simm.s32 $0x6800;
	s19 =	simm.s32 $0x7000  }
0x7: {  	s20 =	simm.s32 $0x7800;
	s21 =	simm.s32 $0x8000;
	s28 =	simm.s32 $0xA800  }
0x8: {  	s29 =	simm.s32 $0xB000;
	s30 =	simm.s32 $0xB800;
	s31 =	simm.s32 $0xC000  }
0x9: {  	s2 =	sand.u32 $0x1, s2;
	s4 =	sshll.u32 s3, $0x1;
	s3 =	simm.s32 $0x0  }
0xa: {  	s7 =	sadd.s32 $0x11900, s1;
	s4 =	sor.u32 s2, s4;
	[smem:$0x7FF] =	sst s3  }
0xb: {  	s2 =	ssub.s32 $0x2, s2;
	s5 =	sshll.u32 s4, $0x5;
	s6 =	sshll.u32 s4, $0xD  }
0xc: {  	_ =	strace $0x80000047;
	s4 =	sshll.u32 s4, $0xA;
	s25 =	sshrl.u32 s2, $0x1  }
0xd: {  	s5 =	sadd.s32 s5, s1;
	s0 =	sadd.s32 s0, s6;
	s4 =	sadd.s32 s4, s1  }
0xe: {  	s2 =	ssub.s32 s2, s25;
	[dreg:$0x4] =	wrdreg s0;
	s22 =	sadd.s32 $0x11200, s5  }
0xf: {  	s6 =	sadd.s32 $0x11800, s1;
	s23 =	sadd.s32 $0x11210, s5;
	[dreg:$0x5] =	wrdreg s22  }
0x10: {  	s25 =	simm.s32 $0xA000;
	s24 =	sadd.s32 $0xE00, s4;
	[dreg:$0x6] =	wrdreg s23  }
0x11: {  	v2 =	vlaneseq.u32;
	s26 =	sadd.s32 $0x8E00, s4;
	s4 =	sadd.s32 $0x11600, s1;
	[dreg:$0x7] =	wrdreg s24  }
0x12: {  	vm0 =	vmmov $0xffff;
	v1 =	vshrl.u32 v2, $0x3;
	s5 =	sadd.s32 $0x11700, s1;
	s8 =	smax.u32 s2, $0x1;
	[dreg:$0x8] =	wrdreg s26  }
0x13: {  	v0 =	vand.u32 $0x7, v2;
	v2 =	vor.u32 $0x8, v2;
	v1 =	vmul.u32 $0x8, v1;
	s22 =	simm.s32 $0x8800;
	s23 =	simm.s32 $0x9000;
	s24 =	simm.s32 $0x9800  }
.LBB2_1:
0x14: {  	s26 =	rddreg [dreg:$0x4]  }
0x15: {  	[tilespmem:s3], [sflag:$0x5] =	stream.linear.gather [hbm4b:s26+s3], $0x10000, $0x38;
	[tilespmem:$0x14100] =	vst v63  }
0x16: {  	_ =	swait.ge [sflag:s9], $0x10000  }
0x17: {  	[sflag:s9] =	ssyncset.done $0x0  }
0x18: {  	s0 =	simm.s32 $0x14000;
	s2 =	rddreg [dreg:$0x5];
	[sflag:s9] =	ssyncadd.s32 $0xFFFF0000  }
0x19: {  	[tilespmem:s0], [sflag:$0x5] =	stream.linear.gather [hbm4b:s2+s3], $0x80, $0x38;
	[tilespmem:$0x14100] =	vst v63  }
0x1a: {  	_ =	swait.ge [sflag:s9], $0x80  }
0x1b: {  	[sflag:s9] =	ssyncset.done $0x0  }
0x1c: {  	s2 =	simm.s32 $0x14080;
	s1 =	rddreg [dreg:$0x6];
	[sflag:s9] =	ssyncadd.s32 $0xFFFFFF80  }
0x1d: {  	[tilespmem:s2], [sflag:$0x5] =	stream.linear.gather [hbm4b:s1+s3], $0x80, $0x38;
	[tilespmem:$0x14100] =	vst v63  }
0x1e: {  	_ =	swait.ge [sflag:s9], $0x80  }
0x1f: {  	[sflag:s9] =	ssyncset.done $0x0  }
0x20: {  	s2 =	simm.s32 $0x10000;
	s1 =	rddreg [dreg:$0x7];
	[sflag:s9] =	ssyncadd.s32 $0xFFFFFF80  }
0x21: {  	[tilespmem:s2], [sflag:$0x5] =	stream.linear.gather [hbm4b:s1+s3], $0x2000, $0x38;
	[tilespmem:$0x14100] =	vst v63  }
0x22: {  	_ =	swait.ge [sflag:s9], $0x2000  }
0x23: {  	[sflag:s9] =	ssyncset.done $0x0  }
0x24: {  	s1 =	simm.s32 $0x12000;
	s0 =	rddreg [dreg:$0x8];
	[sflag:s9] =	ssyncadd.s32 $0xFFFFE000  }
0x25: {  	[tilespmem:s1], [sflag:$0x5] =	stream.linear.gather [hbm4b:s0+s3], $0x2000, $0x38;
	[tilespmem:$0x14100] =	vst v63  }
0x26: {  	_ =	swait.ge [sflag:s9], $0x2000  }
0x27: {  	[sflag:s9] =	ssyncset.done $0x0  }
0x28: {  	[sflag:s9] =	ssyncadd.s32 $0xFFFFE000  }
0x29: {  	v3 =	vld [tilespmem:$0x14000];
	_ =	sdelay $0x4  }
0x2a: {  	v4 =	vshll.u32 v3, $0x3  }
0x2b: {  	v3 =	vand.u32 $0x7, v3;
	v4 =	vand.u32 $0xFFFFFFC0, v4  }
0x2c: {  	v3 =	vor.u32 v3, v4  }
0x2d: {  	v4 =	vperm.xlane v3, v0;
	_ =	sdelay $0x1  }
0x2e: {  	v4 =	vadd.s32 v1, v4;
	_ =	sdelay $0x4  }
0x2f: {  	[hbm4b:s4+s3] =	stream.indirect_vreg.scatter [tilespmem:s3], [sflag:$0x1], $0x80, v4, vm0, $0xb8;
	[tilespmem:$0x14100] =	vst v63  }
0x30: {  	s26 =	simm.s32 $0x800;
	v3 =	vperm.xlane v3, v2  }
0x31: {  	[hbm4b:s5+s3] =	stream.indirect_vreg.scatter [tilespmem:s26], [sflag:$0x1], $0x80, v4, vm0, $0xb8;
	[tilespmem:$0x14100] =	vst v63  }
0x32: {  	s1 =	simm.s32 $0x1000;
	v3 =	vadd.s32 v1, v3  }
0x33: {  	[hbm4b:s6+s3] =	stream.indirect_vreg.scatter [tilespmem:s1], [sflag:$0x1], $0x80, v4, vm0, $0xb8;
	[tilespmem:$0x14100] =	vst v63  }
0x34: {  	s2 =	simm.s32 $0x1800  }
0x35: {  	[hbm4b:s7+s3] =	stream.indirect_vreg.scatter [tilespmem:s2], [sflag:$0x1], $0x80, v4, vm0, $0xb8;
	[tilespmem:$0x14100] =	vst v63  }
0x36: {  	s2 =	simm.s32 $0x2000  }
0x37: {  	[hbm4b:s4+s3] =	stream.indirect_vreg.scatter [tilespmem:s2], [sflag:$0x1], $0x80, v3, vm0, $0xb8;
	[tilespmem:$0x14100] =	vst v63  }
0x38: {  	_ = 	snop  }
0x39: {  	[hbm4b:s5+s3] =	stream.indirect_vreg.scatter [tilespmem:s10], [sflag:$0x1], $0x80, v3, vm0, $0xb8;
	[tilespmem:$0x14100] =	vst v63  }
0x3a: {  	_ = 	snop  }
0x3b: {  	[hbm4b:s6+s3] =	stream.indirect_vreg.scatter [tilespmem:s11], [sflag:$0x1], $0x80, v3, vm0, $0xb8;
	[tilespmem:$0x14100] =	vst v63  }
0x3c: {  	_ = 	snop  }
0x3d: {  	[hbm4b:s7+s3] =	stream.indirect_vreg.scatter [tilespmem:s12], [sflag:$0x1], $0x80, v3, vm0, $0xb8;
	[tilespmem:$0x14100] =	vst v63  }
0x3e: {  	v3 =	vld [tilespmem:$0x14010];
	_ =	sdelay $0x4  }
0x3f: {  	v57 =	vshll.u32 v3, $0x3  }
0x40: {  	v3 =	vand.u32 $0x7, v3;
	v4 =	vand.u32 $0xFFFFFFC0, v57  }
0x41: {  	v3 =	vor.u32 v3, v4  }
0x42: {  	v4 =	vperm.xlane v3, v0;
	_ =	sdelay $0x1  }
0x43: {  	v4 =	vadd.s32 v1, v4;
	_ =	sdelay $0x4  }
0x44: {  	[hbm4b:s4+s3] =	stream.indirect_vreg.scatter [tilespmem:s13], [sflag:$0x1], $0x80, v4, vm0, $0xb8;
	[tilespmem:$0x14100] =	vst v63  }
0x45: {  	v3 =	vperm.xlane v3, v2  }
0x46: {  	[hbm4b:s5+s3] =	stream.indirect_vreg.scatter [tilespmem:s14], [sflag:$0x1], $0x80, v4, vm0, $0xb8;
	[tilespmem:$0x14100] =	vst v63  }
0x47: {  	v3 =	vadd.s32 v1, v3  }
0x48: {  	[hbm4b:s6+s3] =	stream.indirect_vreg.scatter [tilespmem:s15], [sflag:$0x1], $0x80, v4, vm0, $0xb8;
	[tilespmem:$0x14100] =	vst v63  }
0x49: {  	_ = 	snop  }
0x4a: {  	[hbm4b:s7+s3] =	stream.indirect_vreg.scatter [tilespmem:s16], [sflag:$0x1], $0x80, v4, vm0, $0xb8;
	[tilespmem:$0x14100] =	vst v63  }
0x4b: {  	_ = 	snop  }
0x4c: {  	[hbm4b:s4+s3] =	stream.indirect_vreg.scatter [tilespmem:s17], [sflag:$0x1], $0x80, v3, vm0, $0xb8;
	[tilespmem:$0x14100] =	vst v63  }
0x4d: {  	_ = 	snop  }
0x4e: {  	[hbm4b:s5+s3] =	stream.indirect_vreg.scatter [tilespmem:s18], [sflag:$0x1], $0x80, v3, vm0, $0xb8;
	[tilespmem:$0x14100] =	vst v63  }
0x4f: {  	_ = 	snop  }
0x50: {  	[hbm4b:s6+s3] =	stream.indirect_vreg.scatter [tilespmem:s19], [sflag:$0x1], $0x80, v3, vm0, $0xb8;
	[tilespmem:$0x14100] =	vst v63  }
0x51: {  	_ = 	snop  }
0x52: {  	[hbm4b:s7+s3] =	stream.indirect_vreg.scatter [tilespmem:s20], [sflag:$0x1], $0x80, v3, vm0, $0xb8;
	[tilespmem:$0x14100] =	vst v63  }
0x53: {  	v3 =	vld [tilespmem:$0x14020];
	_ =	sdelay $0x4  }
0x54: {  	v58 =	vshll.u32 v3, $0x3  }
0x55: {  	v3 =	vand.u32 $0x7, v3;
	v4 =	vand.u32 $0xFFFFFFC0, v58  }
0x56: {  	v3 =	vor.u32 v3, v4  }
0x57: {  	v4 =	vperm.xlane v3, v0;
	_ =	sdelay $0x1  }
0x58: {  	v4 =	vadd.s32 v1, v4;
	_ =	sdelay $0x4  }
0x59: {  	[hbm4b:s4+s3] =	stream.indirect_vreg.scatter [tilespmem:s21], [sflag:$0x1], $0x80, v4, vm0, $0xb8;
	[tilespmem:$0x14100] =	vst v63  }
0x5a: {  	v3 =	vperm.xlane v3, v2  }
0x5b: {  	[hbm4b:s5+s3] =	stream.indirect_vreg.scatter [tilespmem:s22], [sflag:$0x1], $0x80, v4, vm0, $0xb8;
	[tilespmem:$0x14100] =	vst v63  }
0x5c: {  	v3 =	vadd.s32 v1, v3  }
0x5d: {  	[hbm4b:s6+s3] =	stream.indirect_vreg.scatter [tilespmem:s23], [sflag:$0x1], $0x80, v4, vm0, $0xb8;
	[tilespmem:$0x14100] =	vst v63  }
0x5e: {  	_ = 	snop  }
0x5f: {  	[hbm4b:s7+s3] =	stream.indirect_vreg.scatter [tilespmem:s24], [sflag:$0x1], $0x80, v4, vm0, $0xb8;
	[tilespmem:$0x14100] =	vst v63  }
0x60: {  	_ = 	snop  }
0x61: {  	[hbm4b:s4+s3] =	stream.indirect_vreg.scatter [tilespmem:s25], [sflag:$0x1], $0x80, v3, vm0, $0xb8;
	[tilespmem:$0x14100] =	vst v63  }
0x62: {  	_ = 	snop  }
0x63: {  	[hbm4b:s5+s3] =	stream.indirect_vreg.scatter [tilespmem:s28], [sflag:$0x1], $0x80, v3, vm0, $0xb8;
	[tilespmem:$0x14100] =	vst v63  }
0x64: {  	_ = 	snop  }
0x65: {  	[hbm4b:s6+s3] =	stream.indirect_vreg.scatter [tilespmem:s29], [sflag:$0x1], $0x80, v3, vm0, $0xb8;
	[tilespmem:$0x14100] =	vst v63  }
0x66: {  	_ = 	snop  }
0x67: {  	[hbm4b:s7+s3] =	stream.indirect_vreg.scatter [tilespmem:s30], [sflag:$0x1], $0x80, v3, vm0, $0xb8;
	[tilespmem:$0x14100] =	vst v63  }
0x68: {  	v3 =	vld [tilespmem:$0x14030];
	_ =	sdelay $0x4  }
0x69: {  	v59 =	vshll.u32 v3, $0x3  }
0x6a: {  	v3 =	vand.u32 $0x7, v3;
	v4 =	vand.u32 $0xFFFFFFC0, v59  }
0x6b: {  	v3 =	vor.u32 v3, v4  }
0x6c: {  	v4 =	vperm.xlane v3, v0;
	_ =	sdelay $0x1  }
0x6d: {  	v4 =	vadd.s32 v1, v4;
	_ =	sdelay $0x4  }
0x6e: {  	[hbm4b:s4+s3] =	stream.indirect_vreg.scatter [tilespmem:s31], [sflag:$0x1], $0x80, v4, vm0, $0xb8;
	[tilespmem:$0x14100] =	vst v63  }
0x6f: {  	s0 =	simm.s32 $0xC800;
	v3 =	vperm.xlane v3, v2  }
0x70: {  	[hbm4b:s5+s3] =	stream.indirect_vreg.scatter [tilespmem:s0], [sflag:$0x1], $0x80, v4, vm0, $0xb8;
	[tilespmem:$0x14100] =	vst v63  }
0x71: {  	v3 =	vadd.s32 v1, v3;
	s0 =	simm.s32 $0xD000  }
0x72: {  	[hbm4b:s6+s3] =	stream.indirect_vreg.scatter [tilespmem:s0], [sflag:$0x1], $0x80, v4, vm0, $0xb8;
	[tilespmem:$0x14100] =	vst v63  }
0x73: {  	s0 =	simm.s32 $0xD800  }
0x74: {  	[hbm4b:s7+s3] =	stream.indirect_vreg.scatter [tilespmem:s0], [sflag:$0x1], $0x80, v4, vm0, $0xb8;
	[tilespmem:$0x14100] =	vst v63  }
0x75: {  	s0 =	simm.s32 $0xE000  }
0x76: {  	[hbm4b:s4+s3] =	stream.indirect_vreg.scatter [tilespmem:s0], [sflag:$0x1], $0x80, v3, vm0, $0xb8;
	[tilespmem:$0x14100] =	vst v63  }
0x77: {  	s0 =	simm.s32 $0xE800  }
0x78: {  	[hbm4b:s5+s3] =	stream.indirect_vreg.scatter [tilespmem:s0], [sflag:$0x1], $0x80, v3, vm0, $0xb8;
	[tilespmem:$0x14100] =	vst v63  }
0x79: {  	s0 =	simm.s32 $0xF000  }
0x7a: {  	[hbm4b:s6+s3] =	stream.indirect_vreg.scatter [tilespmem:s0], [sflag:$0x1], $0x80, v3, vm0, $0xb8;
	[tilespmem:$0x14100] =	vst v63  }
0x7b: {  	s0 =	simm.s32 $0xF800  }
0x7c: {  	[hbm4b:s7+s3] =	stream.indirect_vreg.scatter [tilespmem:s0], [sflag:$0x1], $0x80, v3, vm0, $0xb8;
	[tilespmem:$0x14100] =	vst v63  }
0x7d: {  	v3 =	vld [tilespmem:$0x14080];
	_ =	sdelay $0x4  }
0x7e: {  	v60 =	vshll.u32 v3, $0x3  }
0x7f: {  	v3 =	vand.u32 $0x7, v3;
	v4 =	vand.u32 $0xFFFFFFC0, v60  }
0x80: {  	v3 =	vor.u32 v3, v4  }
0x81: {  	v4 =	vperm.xlane v3, v0;
	_ =	sdelay $0x1  }
0x82: {  	v4 =	vadd.s32 v1, v4;
	_ =	sdelay $0x4  }
0x83: {  	[hbm4b:s4+s3] =	stream.indirect_vreg.scatter [tilespmem:s3], [sflag:$0x2], $0x80, v4, vm0, $0xb8;
	[tilespmem:$0x14100] =	vst v63  }
0x84: {  	v3 =	vperm.xlane v3, v2  }
0x85: {  	[hbm4b:s5+s3] =	stream.indirect_vreg.scatter [tilespmem:s26], [sflag:$0x2], $0x80, v4, vm0, $0xb8;
	[tilespmem:$0x14100] =	vst v63  }
0x86: {  	v3 =	vadd.s32 v1, v3  }
0x87: {  	[hbm4b:s6+s3] =	stream.indirect_vreg.scatter [tilespmem:s1], [sflag:$0x2], $0x80, v4, vm0, $0xb8;
	[tilespmem:$0x14100] =	vst v63  }
0x88: {  	s1 =	simm.s32 $0x1800  }
0x89: {  	[hbm4b:s7+s3] =	stream.indirect_vreg.scatter [tilespmem:s1], [sflag:$0x2], $0x80, v4, vm0, $0xb8;
	[tilespmem:$0x14100] =	vst v63  }
0x8a: {  	_ = 	snop  }
0x8b: {  	[hbm4b:s4+s3] =	stream.indirect_vreg.scatter [tilespmem:s2], [sflag:$0x2], $0x80, v3, vm0, $0xb8;
	[tilespmem:$0x14100] =	vst v63  }
0x8c: {  	_ = 	snop  }
0x8d: {  	[hbm4b:s5+s3] =	stream.indirect_vreg.scatter [tilespmem:s10], [sflag:$0x2], $0x80, v3, vm0, $0xb8;
	[tilespmem:$0x14100] =	vst v63  }
0x8e: {  	_ = 	snop  }
0x8f: {  	[hbm4b:s6+s3] =	stream.indirect_vreg.scatter [tilespmem:s11], [sflag:$0x2], $0x80, v3, vm0, $0xb8;
	[tilespmem:$0x14100] =	vst v63  }
0x90: {  	_ = 	snop  }
0x91: {  	[hbm4b:s7+s3] =	stream.indirect_vreg.scatter [tilespmem:s12], [sflag:$0x2], $0x80, v3, vm0, $0xb8;
	[tilespmem:$0x14100] =	vst v63  }
0x92: {  	v3 =	vld [tilespmem:$0x14090];
	_ =	sdelay $0x4  }
0x93: {  	v61 =	vshll.u32 v3, $0x3  }
0x94: {  	v3 =	vand.u32 $0x7, v3;
	v4 =	vand.u32 $0xFFFFFFC0, v61  }
0x95: {  	v3 =	vor.u32 v3, v4  }
0x96: {  	v4 =	vperm.xlane v3, v0;
	_ =	sdelay $0x1  }
0x97: {  	v4 =	vadd.s32 v1, v4;
	_ =	sdelay $0x4  }
0x98: {  	[hbm4b:s4+s3] =	stream.indirect_vreg.scatter [tilespmem:s13], [sflag:$0x2], $0x80, v4, vm0, $0xb8;
	[tilespmem:$0x14100] =	vst v63  }
0x99: {  	v3 =	vperm.xlane v3, v2  }
0x9a: {  	[hbm4b:s5+s3] =	stream.indirect_vreg.scatter [tilespmem:s14], [sflag:$0x2], $0x80, v4, vm0, $0xb8;
	[tilespmem:$0x14100] =	vst v63  }
0x9b: {  	v3 =	vadd.s32 v1, v3  }
0x9c: {  	[hbm4b:s6+s3] =	stream.indirect_vreg.scatter [tilespmem:s15], [sflag:$0x2], $0x80, v4, vm0, $0xb8;
	[tilespmem:$0x14100] =	vst v63  }
0x9d: {  	_ = 	snop  }
0x9e: {  	[hbm4b:s7+s3] =	stream.indirect_vreg.scatter [tilespmem:s16], [sflag:$0x2], $0x80, v4, vm0, $0xb8;
	[tilespmem:$0x14100] =	vst v63  }
0x9f: {  	_ = 	snop  }
0xa0: {  	[hbm4b:s4+s3] =	stream.indirect_vreg.scatter [tilespmem:s17], [sflag:$0x2], $0x80, v3, vm0, $0xb8;
	[tilespmem:$0x14100] =	vst v63  }
0xa1: {  	_ = 	snop  }
0xa2: {  	[hbm4b:s5+s3] =	stream.indirect_vreg.scatter [tilespmem:s18], [sflag:$0x2], $0x80, v3, vm0, $0xb8;
	[tilespmem:$0x14100] =	vst v63  }
0xa3: {  	_ = 	snop  }
0xa4: {  	[hbm4b:s6+s3] =	stream.indirect_vreg.scatter [tilespmem:s19], [sflag:$0x2], $0x80, v3, vm0, $0xb8;
	[tilespmem:$0x14100] =	vst v63  }
0xa5: {  	_ = 	snop  }
0xa6: {  	[hbm4b:s7+s3] =	stream.indirect_vreg.scatter [tilespmem:s20], [sflag:$0x2], $0x80, v3, vm0, $0xb8;
	[tilespmem:$0x14100] =	vst v63  }
0xa7: {  	v3 =	vld [tilespmem:$0x140A0];
	_ =	sdelay $0x4  }
0xa8: {  	v62 =	vshll.u32 v3, $0x3  }
0xa9: {  	v3 =	vand.u32 $0x7, v3;
	v4 =	vand.u32 $0xFFFFFFC0, v62  }
0xaa: {  	v3 =	vor.u32 v3, v4  }
0xab: {  	v4 =	vperm.xlane v3, v0;
	_ =	sdelay $0x1  }
0xac: {  	v4 =	vadd.s32 v1, v4;
	_ =	sdelay $0x4  }
0xad: {  	[hbm4b:s4+s3] =	stream.indirect_vreg.scatter [tilespmem:s21], [sflag:$0x2], $0x80, v4, vm0, $0xb8;
	[tilespmem:$0x14100] =	vst v63  }
0xae: {  	v3 =	vperm.xlane v3, v2  }
0xaf: {  	[hbm4b:s5+s3] =	stream.indirect_vreg.scatter [tilespmem:s22], [sflag:$0x2], $0x80, v4, vm0, $0xb8;
	[tilespmem:$0x14100] =	vst v63  }
0xb0: {  	v3 =	vadd.s32 v1, v3  }
0xb1: {  	[hbm4b:s6+s3] =	stream.indirect_vreg.scatter [tilespmem:s23], [sflag:$0x2], $0x80, v4, vm0, $0xb8;
	[tilespmem:$0x14100] =	vst v63  }
0xb2: {  	_ = 	snop  }
0xb3: {  	[hbm4b:s7+s3] =	stream.indirect_vreg.scatter [tilespmem:s24], [sflag:$0x2], $0x80, v4, vm0, $0xb8;
	[tilespmem:$0x14100] =	vst v63  }
0xb4: {  	_ = 	snop  }
0xb5: {  	[hbm4b:s4+s3] =	stream.indirect_vreg.scatter [tilespmem:s25], [sflag:$0x2], $0x80, v3, vm0, $0xb8;
	[tilespmem:$0x14100] =	vst v63  }
0xb6: {  	_ = 	snop  }
0xb7: {  	[hbm4b:s5+s3] =	stream.indirect_vreg.scatter [tilespmem:s28], [sflag:$0x2], $0x80, v3, vm0, $0xb8;
	[tilespmem:$0x14100] =	vst v63  }
0xb8: {  	_ = 	snop  }
0xb9: {  	[hbm4b:s6+s3] =	stream.indirect_vreg.scatter [tilespmem:s29], [sflag:$0x2], $0x80, v3, vm0, $0xb8;
	[tilespmem:$0x14100] =	vst v63  }
0xba: {  	_ = 	snop  }
0xbb: {  	[hbm4b:s7+s3] =	stream.indirect_vreg.scatter [tilespmem:s30], [sflag:$0x2], $0x80, v3, vm0, $0xb8;
	[tilespmem:$0x14100] =	vst v63  }
0xbc: {  	v3 =	vld [tilespmem:$0x140B0];
	_ =	sdelay $0x4  }
0xbd: {  	v63 =	vshll.u32 v3, $0x3  }
0xbe: {  	v3 =	vand.u32 $0x7, v3;
	v4 =	vand.u32 $0xFFFFFFC0, v63  }
0xbf: {  	v3 =	vor.u32 v3, v4  }
0xc0: {  	v4 =	vperm.xlane v3, v0;
	_ =	sdelay $0x1  }
0xc1: {  	v4 =	vadd.s32 v1, v4;
	_ =	sdelay $0x4  }
0xc2: {  	[hbm4b:s4+s3] =	stream.indirect_vreg.scatter [tilespmem:s31], [sflag:$0x2], $0x80, v4, vm0, $0xb8;
	[tilespmem:$0x14100] =	vst v63  }
0xc3: {  	s2 =	simm.s32 $0xC800;
	v3 =	vperm.xlane v3, v2  }
0xc4: {  	[hbm4b:s5+s3] =	stream.indirect_vreg.scatter [tilespmem:s2], [sflag:$0x2], $0x80, v4, vm0, $0xb8;
	[tilespmem:$0x14100] =	vst v63  }
0xc5: {  	s26 =	simm.s32 $0xD000;
	v3 =	vadd.s32 v1, v3  }
0xc6: {  	[hbm4b:s6+s3] =	stream.indirect_vreg.scatter [tilespmem:s26], [sflag:$0x2], $0x80, v4, vm0, $0xb8;
	[tilespmem:$0x14100] =	vst v63  }
0xc7: {  	s1 =	simm.s32 $0xD800  }
0xc8: {  	[hbm4b:s7+s3] =	stream.indirect_vreg.scatter [tilespmem:s1], [sflag:$0x2], $0x80, v4, vm0, $0xb8;
	[tilespmem:$0x14100] =	vst v63  }
0xc9: {  	s2 =	simm.s32 $0xE000  }
0xca: {  	[hbm4b:s4+s3] =	stream.indirect_vreg.scatter [tilespmem:s2], [sflag:$0x2], $0x80, v3, vm0, $0xb8;
	[tilespmem:$0x14100] =	vst v63  }
0xcb: {  	s26 =	simm.s32 $0xE800  }
0xcc: {  	[hbm4b:s5+s3] =	stream.indirect_vreg.scatter [tilespmem:s26], [sflag:$0x2], $0x80, v3, vm0, $0xb8;
	[tilespmem:$0x14100] =	vst v63  }
0xcd: {  	s1 =	simm.s32 $0xF000  }
0xce: {  	[hbm4b:s6+s3] =	stream.indirect_vreg.scatter [tilespmem:s1], [sflag:$0x2], $0x80, v3, vm0, $0xb8;
	[tilespmem:$0x14100] =	vst v63  }
0xcf: {  	s0 =	simm.s32 $0x40;
	s2 =	simm.s32 $0xF800  }
0xd0: {  	[hbm4b:s7+s3] =	stream.indirect_vreg.scatter [tilespmem:s2], [sflag:$0x2], $0x80, v3, vm0, $0xb8;
	[tilespmem:$0x14100] =	vst v63  }
0xd1: {  	s26 =	rddreg [dreg:$0x2];
	s1 =	simm.s32 $0x14000;
	s2 =	simm.s32 $0x10000  }
0xd2: {  	[hbm4b:s26+s0] =	stream.indirect.scatter [tilespmem:s2], [sflag:$0x3], $0x80, s1, s0, $0xb8;
	[tilespmem:$0x14100] =	vst v63  }
0xd3: {  	s1 =	simm.s32 $0x14080;
	s2 =	simm.s32 $0x12000  }
0xd4: {  	[hbm4b:s26+s0] =	stream.indirect.scatter [tilespmem:s2], [sflag:$0x4], $0x80, s1, s0, $0xb8;
	[tilespmem:$0x14100] =	vst v63  }
0xd5: {  	s26 =	simm.s32 $0x1  }
0xd6: {  	_ =	swait.ge [sflag:s26], $0x10000  }
0xd7: {  	[sflag:s26] =	ssyncset.done $0x0  }
0xd8: {  	s1 =	simm.s32 $0x2;
	[sflag:s26] =	ssyncadd.s32 $0xFFFF0000  }
0xd9: {  	_ =	swait.ge [sflag:s1], $0x10000  }
0xda: {  	[sflag:s1] =	ssyncset.done $0x0  }
0xdb: {  	s2 =	simm.s32 $0x3;
	[sflag:s1] =	ssyncadd.s32 $0xFFFF0000  }
0xdc: {  	p0 =	sne.s32 s8, $0x1;
	_ =	swait.ge [sflag:s2], $0x2000  }
.Ltmp0:
0xdd: {  	[sflag:s2] =	ssyncset.done $0x0;
	(pc) =	sbr.rel @p0 .LBB2_1-.Ltmp0, $4  }
0xde: {  	s26 =	simm.s32 $0x4;
	[sflag:s2] =	ssyncadd.s32 $0xFFFFE000  }
0xdf: {  	_ =	swait.ge [sflag:s26], $0x2000  }
0xe0: {  	[sflag:s26] =	ssyncset.done $0x0  }
0xe1: {  	s8 =	sadd.s32 $0xFFFFFFFF, s8;
	[sflag:s26] =	ssyncadd.s32 $0xFFFFE000  }
0xe2: {  	_ =	sfence.sel $0x180000  }
0xe3: {  	[bflag:$0x0] =	sbarrier.arrive $0xFFFF  }
0xe4: {  	_ =	strace $0x90000047  }
0xe5: {  	s0 =	stileid.u32;
	[bflag:$0x2] =	sbarrier.arrive $0xFFFF  }
0xe6: {  	p0 =	sne.s32 s0, $0x0;
	s0 =	rddreg [dreg:$0x3]  }
0xe7: {  	s0 =	sadd.s32 @!p0 $0x100000, s0  }
0xe8: {  	[sflag:s0] =	ssyncadd.tile.s32 @!p0 $0x1;
	_ =	shalt  }
.Lfunc_end2:
_tile_overlayer_lowered:
.L_overlay_start_2:
0xe9: {  	(tag) =	ssettag $0x2  }
0xea: {  	s0 =	rddreg [dreg:$0x0];
	s2 =	stileid.u32  }
0xeb: {  	s1 =	rddreg [dreg:$0x1];
	p0 =	sne.s32 s2, $0x0  }
0xec: {  	s3 =	rddreg [dreg:$0x2];
	[bflag:$0x3] =	sbarrier.arrive $0xFFFF;
	s2 =	simm.s32 @!p0 $0x1C05  }
0xed: {  	[timem:s3], [sflag:s2] =	dma.local @!p0 [hbm:s0], s1  }
0xee: {  	s0 =	simm.s32 @!p0 $0x5  }
0xef: {  	_ =	swait.ge @!p0 [sflag:s0], s1  }
0xf0: {  	s1 =	ssub.s32 @!p0 $0x0, s1;
	[sflag:s0] =	ssyncset.done @!p0 $0x0  }
0xf1: {  	[sflag:s0] =	ssyncadd.s32 @!p0 s1  }
0xf2: {  	[bflag:$0x3] =	sbarrier.arrive $0xFFFF  }
0xf3: {  	_ =	shalt  }

// kernel: kernel.9.cloned.1.call-start
scs
__scs_entry_jumppad:
0x0: {  	(pc) =	sbr.rel $0x88, $3  }
0x1: {  	(tag) =	ssettag $0x0;
	lr =	simm.s32 $0x1  }
0x2: {  	[smem:$0x3F9D] =	sst lr;
	_ =	strace $0xD0000000  }
0x3: {  	_ = 	snop  }
0x4: {  	_ = 	snop  }
0x5: {  	_ = 	snop  }
0x6: {  	_ = 	snop  }
0x7: {  	_ = 	snop  }
__scs_overlays_trampoline_lowered:
0x8: {  	[smem:$0x3FAC] =	sst s0  }
0x9: {  	[smem:$0x3FAD] =	sst s1  }
0xa: {  	[smem:$0x3FAE] =	sst s2  }
0xb: {  	[smem:$0x3FAF] =	sst s3  }
0xc: {  	[smem:$0x3FB0] =	sst s4  }
0xd: {  	[smem:$0x3FB1] =	sst s5  }
0xe: {  	[smem:$0x3FB2] =	sst s6  }
0xf: {  	[smem:$0x3FB3] =	sst s7  }
0x10: {  	[smem:$0x3FB4] =	sst s8  }
0x11: {  	[smem:$0x3FB5] =	sst s9;
	s0 =	simm.s32 @!p0 $0x0  }
0x12: {  	s1 =	sld [smem:$0x3F9B];
	s0 =	simm.s32 @p0 $0x1  }
0x13: {  	[smem:$0x3FB6] =	sst s0;
	s0 =	simm.s32 @!p1 $0x0  }
0x14: {  	s2 =	sld [smem:$0x3F9A];
	s0 =	simm.s32 @p1 $0x1  }
0x15: {  	[smem:$0x3FB7] =	sst s0;
	s0 =	simm.s32 @!p2 $0x0  }
0x16: {  	s3 =	sld [smem:$0x3FDB];
	s0 =	simm.s32 @p2 $0x1  }
0x17: {  	s4 =	simm.s32 $0x1BF5;
	[smem:$0x3FB9] =	sst s0  }
0x18: {  	s0 =	sld [smem:$0x3F9C];
	_ =	swait.ge [sflag:s4], $0x0  }
0x19: {  	s7 =	sld [smem:$0x3F9D]  }
0x1a: {  	s8 =	sadd.s32 $0xFFFFE003, lr  }
0x1b: {  	s9 =	sadd.s32 $0xFFFFFEF7, lr;
	s5 =	simm.s32 $0xFFFFFFFF;
	p2 =	slt.u32 s8, $0xFFFFF086  }
0x1c: {  	p1 =	slt.u32 s9, $0xF7A;
	s5 =	simm.s32 @!p2 $0x0  }
0x1d: {  	s5 =	simm.s32 @p1 $0x1;
	p0 =	seq.s32 s7, s2  }
0x1e: {  	s7 =	smul.u32 @!p0 $0xF7A, s2;
	p2 =	seq.s32 @!p0 s5, $0x0  }
0x1f: {  	s9 =	smul.u32 $0xF7A, s1;
	s8 =	simm.s32 @!p0 $0x1BF5;
	p2 =	por !p2, p0  }
0x20: {  	[sflag:s8] =	ssyncset.s32 @!p0 $0xFFFFF086;
	s6 =	sadd.s32 @!p0 s3, s7;
	s7 =	simm.s32 @!p0 $0x108  }
0x21: {  	s3 =	sadd.s32 s3, s9;
	s6 =	sadd.s32 @!p0 $0x88, s6;
	s7 =	simm.s32 @p2 $0x1082  }
0x22: {  	[simem:s7], [sflag:s8] =	dma.local @!p0 [hbm:s6], $0xF7A  }
0x23: {  	s9 =	sor.u32 $0xD0000000, s2;
	s6 =	simm.s32 $0x108;
	_ =	swait.ge @!p0 [sflag:s8], $0x0  }
0x24: {  	s3 =	sadd.s32 $0x88, s3;
	s6 =	simm.s32 @!p1 $0x1082;
	[sflag:s4] =	ssyncset.s32 $0xFFFFF086  }
0x25: {  	[simem:s6], [sflag:s4] =	dma.local [hbm:s3], $0xF7A  }
0x26: {  	[smem:$0x3F9D] =	sst s1;
	(tag) =	ssettag s2;
	_ =	strace s9  }
0x27: {  	s1 =	sld [smem:$0x3FAD]  }
0x28: {  	s2 =	sld [smem:$0x3FAE]  }
0x29: {  	s4 =	sld [smem:$0x3FB0]  }
0x2a: {  	p0 =	seq.s32 s5, $0x0;
	s5 =	sld [smem:$0x3FB1]  }
0x2b: {  	s6 =	sld [smem:$0x3FB2]  }
0x2c: {  	s7 =	sld [smem:$0x3FB3]  }
0x2d: {  	s3 =	simm.s32 $0x108;
	s8 =	sld [smem:$0x3FB4]  }
0x2e: {  	s3 =	simm.s32 @!p0 $0x1082;
	s9 =	sld [smem:$0x3FB5]  }
0x2f: {  	lr =	sadd.s32 s0, s3;
	s0 =	sld [smem:$0x3FAC]  }
0x30: {  	s3 =	sld [smem:$0x3FAF]  }
0x31: {  	[smem:$0x3FB8] =	sst s10  }
0x32: {  	s10 =	sld [smem:$0x3FB6];
	_ =	sdelay $0x3  }
0x33: {  	p0 =	seq.s32 s10, $0x1;
	s10 =	sld [smem:$0x3FB8];
	_ =	sdelay $0x3  }
0x34: {  	[smem:$0x3FB8] =	sst s10  }
0x35: {  	s10 =	sld [smem:$0x3FB7];
	_ =	sdelay $0x3  }
0x36: {  	p1 =	seq.s32 s10, $0x1;
	s10 =	sld [smem:$0x3FB8];
	_ =	sdelay $0x3  }
0x37: {  	[smem:$0x3FB8] =	sst s10  }
0x38: {  	s10 =	sld [smem:$0x3FB9]  }
0x39: {  	_ = 	snop;
	(pc) =	sbr.ind lr, $3  }
0x3a: {  	_ = 	snop  }
0x3b: {  	_ = 	snop  }
0x3c: {  	p2 =	seq.s32 s10, $0x1;
	s10 =	sld [smem:$0x3FB8]  }
0x3d: {  	_ =	shalt  }
0x3e: {  	_ =	shalt  }
0x3f: {  	_ =	shalt  }
0x40: {  	_ =	shalt  }
0x41: {  	_ =	shalt  }
0x42: {  	_ =	shalt  }
0x43: {  	_ =	shalt  }
0x44: {  	_ =	shalt  }
0x45: {  	_ =	shalt  }
0x46: {  	_ =	shalt  }
0x47: {  	_ =	shalt  }
0x48: {  	_ =	shalt  }
0x49: {  	_ =	shalt  }
0x4a: {  	_ =	shalt  }
0x4b: {  	_ =	shalt  }
0x4c: {  	_ =	shalt  }
0x4d: {  	_ =	shalt  }
0x4e: {  	_ =	shalt  }
0x4f: {  	_ =	shalt  }
0x50: {  	_ =	shalt  }
0x51: {  	_ =	shalt  }
0x52: {  	_ =	shalt  }
0x53: {  	_ =	shalt  }
0x54: {  	_ =	shalt  }
0x55: {  	_ =	shalt  }
0x56: {  	_ =	shalt  }
0x57: {  	_ =	shalt  }
0x58: {  	_ =	shalt  }
0x59: {  	_ =	shalt  }
0x5a: {  	_ =	shalt  }
0x5b: {  	_ =	shalt  }
0x5c: {  	_ =	shalt  }
0x5d: {  	_ =	shalt  }
0x5e: {  	_ =	shalt  }
0x5f: {  	_ =	shalt  }
0x60: {  	_ =	shalt  }
0x61: {  	_ =	shalt  }
0x62: {  	_ =	shalt  }
0x63: {  	_ =	shalt  }
0x64: {  	_ =	shalt  }
0x65: {  	_ =	shalt  }
0x66: {  	_ =	shalt  }
0x67: {  	_ =	shalt  }
0x68: {  	_ =	shalt  }
0x69: {  	_ =	shalt  }
0x6a: {  	_ =	shalt  }
0x6b: {  	_ =	shalt  }
0x6c: {  	_ =	shalt  }
0x6d: {  	_ =	shalt  }
0x6e: {  	_ =	shalt  }
0x6f: {  	_ =	shalt  }
0x70: {  	_ =	shalt  }
0x71: {  	_ =	shalt  }
0x72: {  	_ =	shalt  }
0x73: {  	_ =	shalt  }
0x74: {  	_ =	shalt  }
0x75: {  	_ =	shalt  }
0x76: {  	_ =	shalt  }
0x77: {  	_ =	shalt  }
0x78: {  	_ =	shalt  }
0x79: {  	_ =	shalt  }
0x7a: {  	_ =	shalt  }
0x7b: {  	_ =	shalt  }
0x7c: {  	_ =	shalt  }
0x7d: {  	_ =	shalt  }
0x7e: {  	_ =	shalt  }
0x7f: {  	_ =	shalt  }
0x80: {  	_ =	shalt  }
0x81: {  	_ =	shalt  }
0x82: {  	_ =	shalt  }
0x83: {  	_ =	shalt  }
0x84: {  	_ =	shalt  }
0x85: {  	_ =	shalt  }
0x86: {  	_ =	shalt  }
0x87: {  	_ =	shalt  }
.Lfunc_end0:
.L_simem_size_0:
called_computation.1_lowered:
.L_overlay_start_0:
0x88: {  	s2 =	sld [smem:$0x3FD9]  }
0x89: {  	s3 =	sld [smem:$0x3FFE];
	_ =	sdelay $0x1  }
0x8a: {  	s1 =	srdreg.scid  }
0x8b: {  	s0 =	sand.u32 $0x1, s1  }
0x8c: {  	s17 =	sshll.u32 s0, $0xA;
	s2 =	sadd.s32 s3, s2  }
0x8d: {  	s2 =	sadd.s32 s2, s17  }
0x8e: {  	[smem:$0x3FC4] =	sst s2  }
0x8f: {  	_ = 	snop  }
0x90: {  	s2 =	sld [smem:$0x3FD0];
	(tm) =	ssettm $0x1  }
0x91: {  	s18 =	sld [smem:$0x3FFB];
	_ =	sdelay $0x3  }
0x92: {  	_ =	strace s18  }
0x93: {  	s3 =	sld [smem:$0x3FFC];
	_ =	sdelay $0x3  }
0x94: {  	_ =	strace s3  }
0x95: {  	s3 =	sld [smem:$0x3FFD];
	_ =	sdelay $0x3  }
0x96: {  	_ =	strace s3  }
0x97: {  	_ =	strace $0x8FFFFFFF  }
0x98: {  	s19 =	sld [smem:$0x3FDB];
	_ =	sdelay $0x1  }
0x99: {  	s4 =	simm.s32 $_scs_section_size  }
0x9a: {  	s5 =	simm.s32 $_size__tile_overlayer_lowered;
	s6 =	simm.s32 $_tile_overlayer_lowered  }
0x9b: {  	s22 =	simm.s32 $0x1BFF;
	s21 =	sshll.u32 s6, $0x1;
	s3 =	sadd.s32 s4, s19  }
0x9c: {  	s7 =	simm.s32 $0x0;
	s20 =	sshll.u32 s5, $0x1;
	s5 =	sadd.s32 s21, s3  }
0x9d: {  	[timem:s7], [sflag:s22] =	dma.local [hbm:s5], s20  }
0x9e: {  	_ =	swait.ge [sflag:s22], s20  }
0x9f: {  	s4 =	ssub.s32 $0x0, s20;
	[sflag:s22] =	ssyncset.done $0x0  }
0xa0: {  	[sflag:s22] =	ssyncadd.s32 s4;
	_ =	sdelay $0x1  }
0xa1: {  	s23 =	simm.s32 $0x1B8B  }
0xa2: {  	_ =	swait.ge [sflag:s23], $0x1  }
0xa3: {  	[sflag:s23] =	ssyncset.done $0x0  }
0xa4: {  	s25 =	simm.s32 $0x1B8E;
	s24 =	sld [smem:$0x3FFE];
	[sflag:s23] =	ssyncadd.s32 $0xFFFFFFFF  }
0xa5: {  	s26 =	simm.s32 $execute0_lowered;
	[smem:$0x3FD2] =	sst s25  }
0xa6: {  	s5 =	sshll.u32 s26, $0x1;
	_ =	strace $0x80000049;
	[dreg:$0x1] =	wrdreg $0xFFFFFFFF  }
0xa7: {  	s28 =	simm.s32 $_size_execute0_lowered;
	s3 =	sadd.s32 s3, s5;
	[dreg:$0x0] =	wrdreg $0x0  }
0xa8: {  	s5 =	sshll.u32 s28, $0x1;
	[dreg:$0x2] =	wrdreg s3  }
0xa9: {  	[dreg:$0x3] =	wrdreg s5  }
0xaa: {  	[dreg:$0x4] =	wrdreg $0xC0  }
0xab: {  	_ =	task [dreg:s7], $0x5FFFF  }
0xac: {  	[dreg:$0x1] =	wrdreg $0xFFFFFFFF  }
0xad: {  	[dreg:$0x0] =	wrdreg $0x60  }
0xae: {  	[dreg:$0x2] =	wrdreg s24  }
0xaf: {  	[dreg:$0x3] =	wrdreg s2  }
0xb0: {  	[dreg:$0x4] =	wrdreg $0x9  }
0xb1: {  	_ =	task.clear_ibuf [dreg:s7], $0x5FFFF;
	_ =	strace $0x90000049  }
0xb2: {  	s29 =	simm.s32 $0x9;
	_ =	strace $0x8000004B  }
0xb3: {  	_ =	swait.ge [sflag:s29], $0x1  }
0xb4: {  	[sflag:s29] =	ssyncadd.s32 $0xFFFFFFFF  }
0xb5: {  	_ =	strace $0x9000004B  }
0xb6: {  	_ =	sfence  }
0xb7: {  	s30 =	sld [smem:$0x0];
	_ =	sdelay $0x2  }
0xb8: {  	s31 =	sshll.u32 s1, $0xD;
	s1 =	sshrl.u32 s1, $0x2  }
0xb9: {  	s3 =	sand.u32 $0x4000, s31;
	s1 =	sadd.s32 s1, s30  }
0xba: {  	s0 =	sor.u32 s3, s0;
	s1 =	sshll.u32 s1, $0x11  }
0xbb: {  	s0 =	sor.u32 s1, s0  }
0xbc: {  	s0 =	sadd.s32 $0x8F2B, s0  }
0xbd: {  	[sflag:s0] =	ssyncadd.remote.s32 $0x1  }
0xbe: {  	_ =	sfence.sel $0xFFFF  }
0xbf: {  	[dreg:$0x0] =	wrdreg $0xFFFFFFFF;
	(pc) =	sbr.abs _section_cstart, $3  }
0xc0: {  	[dreg:$0x1] =	wrdreg $0xFFFFFFFF  }
0xc1: {  	_ =	task.clear_ibuf [dreg:s7], $0x2FFFF;
	_ =	strace $0x9FFFFFFF  }
0xc2: {  	(tm) =	ssettm $0x7FFFFFFF  }
0xc3: {  	_ =	shalt  }
tec
execute0_lowered:
.L_overlay_start_1:
0x0: {  	(tag) =	ssettag $0x1  }
0x1: {  	s0 =	rddreg [dreg:$0x0]  }
0x2: {  	s1 =	rddreg [dreg:$0x1]  }
0x3: {  	s3 =	srdreg.scid;
	s4 =	stileid.u32;
	s2 =	simm.s32 $0x0  }
0x4: {  	s15 =	simm.s32 $0x3;
	s14 =	simm.s32 $0x9800;
	s16 =	simm.s32 $0xA000  }
0x5: {  	s17 =	simm.s32 $0xA800;
	s10 =	simm.s32 $0xB000;
	s18 =	simm.s32 $0xB800  }
0x6: {  	s11 =	simm.s32 $0xC000;
	s19 =	simm.s32 $0xC800;
	s12 =	simm.s32 $0xD000  }
0x7: {  	s20 =	simm.s32 $0xD800;
	s13 =	simm.s32 $0xE000;
	s21 =	simm.s32 $0xE800  }
0x8: {  	s22 =	simm.s32 $0xF000;
	s3 =	sand.u32 $0x1, s3;
	s4 =	sshll.u32 s4, $0x1  }
0x9: {  	s23 =	simm.s32 $0xF800;
	s24 =	simm.s32 $0x1;
	s4 =	sor.u32 s3, s4  }
0xa: {  	s25 =	simm.s32 $0x2;
	[smem:$0x7FF] =	sst s2;
	s6 =	sshll.u32 s4, $0x5  }
0xb: {  	s8 =	sadd.s32 $0xC9900, s0;
	s5 =	ssub.s32 $0x2, s3;
	s9 =	sadd.s32 s6, s0  }
0xc: {  	_ =	strace $0x8000004A;
	s3 =	sadd.s32 $0xC9600, s0;
	s6 =	sadd.s32 $0x11200, s9  }
0xd: {  	s7 =	sshrl.u32 s5, $0x1;
	s26 =	sadd.s32 $0x11210, s9;
	[dreg:$0x3] =	wrdreg s6  }
0xe: {  	s28 =	sshll.u32 s4, $0xD;
	s29 =	sadd.s32 $0x11204, s9;
	[dreg:$0x4] =	wrdreg s26  }
0xf: {  	s5 =	ssub.s32 s5, s7;
	s30 =	sadd.s32 $0x11214, s9;
	[dreg:$0x6] =	wrdreg s29  }
0x10: {  	s7 =	sadd.s32 $0xC9800, s0;
	s31 =	smax.u32 s5, $0x1;
	[dreg:$0x7] =	wrdreg s30  }
0x11: {  	v2 =	vlaneseq.u32;
	s6 =	sadd.s32 $0xC9700, s0;
	s0 =	sadd.s32 s1, s28;
	[dreg:$0x9] =	wrdreg s31  }
0x12: {  	vm0 =	vmmov $0xffff;
	v1 =	vshrl.u32 v2, $0x3;
	s4 =	simm.s32 $0x10000;
	[dreg:$0x5] =	wrdreg s0;
	s0 =	sadd.s32 $0x1000, s0  }
0x13: {  	v0 =	vand.u32 $0x7, v2;
	v2 =	vor.u32 $0x8, v2;
	v1 =	vmul.u32 $0x8, v1;
	s5 =	simm.s32 $0x9000;
	s26 =	simm.s32 $0x0;
	[dreg:$0x8] =	wrdreg s0  }
.LBB2_1:
0x14: {  	s0 =	rddreg [dreg:$0x3]  }
0x15: {  	[tilespmem:s4], [sflag:$0x3] =	stream.linear.gather [hbm4b:s0+s2], $0x20, $0x38;
	[tilespmem:$0x10100] =	vst v63  }
0x16: {  	_ =	swait.ge [sflag:s15], $0x20  }
0x17: {  	[sflag:s15] =	ssyncset.done $0x0  }
0x18: {  	s1 =	simm.s32 $0x10080;
	s29 =	rddreg [dreg:$0x4];
	[sflag:s15] =	ssyncadd.s32 $0xFFFFFFE0  }
0x19: {  	[tilespmem:s1], [sflag:$0x3] =	stream.linear.gather [hbm4b:s29+s2], $0x20, $0x38;
	[tilespmem:$0x10100] =	vst v63  }
0x1a: {  	_ =	swait.ge [sflag:s15], $0x20  }
0x1b: {  	[sflag:s15] =	ssyncset.done $0x0  }
0x1c: {  	[sflag:s15] =	ssyncadd.s32 $0xFFFFFFE0  }
0x1d: {  	v3 =	vld [tilespmem:$0x10000];
	_ =	sdelay $0x4  }
0x1e: {  	v4 =	vshll.u32 v3, $0x3  }
0x1f: {  	v3 =	vand.u32 $0x7, v3;
	v4 =	vand.u32 $0xFFFFFFC0, v4  }
0x20: {  	v3 =	vor.u32 v3, v4  }
0x21: {  	v4 =	vperm.xlane v3, v0;
	_ =	sdelay $0x1  }
0x22: {  	v4 =	vadd.s32 v1, v4;
	_ =	sdelay $0x4  }
0x23: {  	[tilespmem:s2], [sflag:$0x1] =	stream.indirect_vreg.gather [hbm4b:s3+s2], $0x80, v4, vm0, $0xb8;
	[tilespmem:$0x10100] =	vst v63  }
0x24: {  	s30 =	simm.s32 $0x800;
	v3 =	vperm.xlane v3, v2  }
0x25: {  	[tilespmem:s30], [sflag:$0x1] =	stream.indirect_vreg.gather [hbm4b:s6+s2], $0x80, v4, vm0, $0xb8;
	[tilespmem:$0x10100] =	vst v63  }
0x26: {  	s31 =	simm.s32 $0x1000;
	v3 =	vadd.s32 v1, v3  }
0x27: {  	[tilespmem:s31], [sflag:$0x1] =	stream.indirect_vreg.gather [hbm4b:s7+s2], $0x80, v4, vm0, $0xb8;
	[tilespmem:$0x10100] =	vst v63  }
0x28: {  	s1 =	simm.s32 $0x1800  }
0x29: {  	[tilespmem:s1], [sflag:$0x1] =	stream.indirect_vreg.gather [hbm4b:s8+s2], $0x80, v4, vm0, $0xb8;
	[tilespmem:$0x10100] =	vst v63  }
0x2a: {  	s9 =	simm.s32 $0x2000  }
0x2b: {  	[tilespmem:s9], [sflag:$0x1] =	stream.indirect_vreg.gather [hbm4b:s3+s2], $0x80, v3, vm0, $0xb8;
	[tilespmem:$0x10100] =	vst v63  }
0x2c: {  	s29 =	simm.s32 $0x2800  }
0x2d: {  	[tilespmem:s29], [sflag:$0x1] =	stream.indirect_vreg.gather [hbm4b:s6+s2], $0x80, v3, vm0, $0xb8;
	[tilespmem:$0x10100] =	vst v63  }
0x2e: {  	s30 =	simm.s32 $0x3000  }
0x2f: {  	[tilespmem:s30], [sflag:$0x1] =	stream.indirect_vreg.gather [hbm4b:s7+s2], $0x80, v3, vm0, $0xb8;
	[tilespmem:$0x10100] =	vst v63  }
0x30: {  	s31 =	simm.s32 $0x3800  }
0x31: {  	[tilespmem:s31], [sflag:$0x1] =	stream.indirect_vreg.gather [hbm4b:s8+s2], $0x80, v3, vm0, $0xb8;
	[tilespmem:$0x10100] =	vst v63  }
0x32: {  	v3 =	vld [tilespmem:$0x10010];
	_ =	sdelay $0x4  }
0x33: {  	v61 =	vshll.u32 v3, $0x3  }
0x34: {  	v3 =	vand.u32 $0x7, v3;
	v4 =	vand.u32 $0xFFFFFFC0, v61  }
0x35: {  	v3 =	vor.u32 v3, v4  }
0x36: {  	v4 =	vperm.xlane v3, v0;
	_ =	sdelay $0x1  }
0x37: {  	v4 =	vadd.s32 v1, v4;
	_ =	sdelay $0x3  }
0x38: {  	s1 =	simm.s32 $0x4000  }
0x39: {  	[tilespmem:s1], [sflag:$0x1] =	stream.indirect_vreg.gather [hbm4b:s3+s2], $0x80, v4, vm0, $0xb8;
	[tilespmem:$0x10100] =	vst v63  }
0x3a: {  	s9 =	simm.s32 $0x4800;
	v3 =	vperm.xlane v3, v2  }
0x3b: {  	[tilespmem:s9], [sflag:$0x1] =	stream.indirect_vreg.gather [hbm4b:s6+s2], $0x80, v4, vm0, $0xb8;
	[tilespmem:$0x10100] =	vst v63  }
0x3c: {  	s29 =	simm.s32 $0x5000;
	v3 =	vadd.s32 v1, v3  }
0x3d: {  	[tilespmem:s29], [sflag:$0x1] =	stream.indirect_vreg.gather [hbm4b:s7+s2], $0x80, v4, vm0, $0xb8;
	[tilespmem:$0x10100] =	vst v63  }
0x3e: {  	s30 =	simm.s32 $0x5800  }
0x3f: {  	[tilespmem:s30], [sflag:$0x1] =	stream.indirect_vreg.gather [hbm4b:s8+s2], $0x80, v4, vm0, $0xb8;
	[tilespmem:$0x10100] =	vst v63  }
0x40: {  	s31 =	simm.s32 $0x6000  }
0x41: {  	[tilespmem:s31], [sflag:$0x1] =	stream.indirect_vreg.gather [hbm4b:s3+s2], $0x80, v3, vm0, $0xb8;
	[tilespmem:$0x10100] =	vst v63  }
0x42: {  	s1 =	simm.s32 $0x6800  }
0x43: {  	[tilespmem:s1], [sflag:$0x1] =	stream.indirect_vreg.gather [hbm4b:s6+s2], $0x80, v3, vm0, $0xb8;
	[tilespmem:$0x10100] =	vst v63  }
0x44: {  	s9 =	simm.s32 $0x7000  }
0x45: {  	[tilespmem:s9], [sflag:$0x1] =	stream.indirect_vreg.gather [hbm4b:s7+s2], $0x80, v3, vm0, $0xb8;
	[tilespmem:$0x10100] =	vst v63  }
0x46: {  	s29 =	simm.s32 $0x7800  }
0x47: {  	[tilespmem:s29], [sflag:$0x1] =	stream.indirect_vreg.gather [hbm4b:s8+s2], $0x80, v3, vm0, $0xb8;
	[tilespmem:$0x10100] =	vst v63  }
0x48: {  	v3 =	vld [tilespmem:$0x10080];
	_ =	sdelay $0x4  }
0x49: {  	v62 =	vshll.u32 v3, $0x3  }
0x4a: {  	v3 =	vand.u32 $0x7, v3;
	v4 =	vand.u32 $0xFFFFFFC0, v62  }
0x4b: {  	v3 =	vor.u32 v3, v4  }
0x4c: {  	v4 =	vperm.xlane v3, v0;
	_ =	sdelay $0x1  }
0x4d: {  	v4 =	vadd.s32 v1, v4;
	_ =	sdelay $0x3  }
0x4e: {  	s30 =	simm.s32 $0x8000  }
0x4f: {  	[tilespmem:s30], [sflag:$0x2] =	stream.indirect_vreg.gather [hbm4b:s3+s2], $0x80, v4, vm0, $0xb8;
	[tilespmem:$0x10100] =	vst v63  }
0x50: {  	s31 =	simm.s32 $0x8800;
	v3 =	vperm.xlane v3, v2  }
0x51: {  	[tilespmem:s31], [sflag:$0x2] =	stream.indirect_vreg.gather [hbm4b:s6+s2], $0x80, v4, vm0, $0xb8;
	[tilespmem:$0x10100] =	vst v63  }
0x52: {  	v3 =	vadd.s32 v1, v3  }
0x53: {  	[tilespmem:s5], [sflag:$0x2] =	stream.indirect_vreg.gather [hbm4b:s7+s2], $0x80, v4, vm0, $0xb8;
	[tilespmem:$0x10100] =	vst v63  }
0x54: {  	_ = 	snop  }
0x55: {  	[tilespmem:s14], [sflag:$0x2] =	stream.indirect_vreg.gather [hbm4b:s8+s2], $0x80, v4, vm0, $0xb8;
	[tilespmem:$0x10100] =	vst v63  }
0x56: {  	_ = 	snop  }
0x57: {  	[tilespmem:s16], [sflag:$0x2] =	stream.indirect_vreg.gather [hbm4b:s3+s2], $0x80, v3, vm0, $0xb8;
	[tilespmem:$0x10100] =	vst v63  }
0x58: {  	_ = 	snop  }
0x59: {  	[tilespmem:s17], [sflag:$0x2] =	stream.indirect_vreg.gather [hbm4b:s6+s2], $0x80, v3, vm0, $0xb8;
	[tilespmem:$0x10100] =	vst v63  }
0x5a: {  	_ = 	snop  }
0x5b: {  	[tilespmem:s10], [sflag:$0x2] =	stream.indirect_vreg.gather [hbm4b:s7+s2], $0x80, v3, vm0, $0xb8;
	[tilespmem:$0x10100] =	vst v63  }
0x5c: {  	_ = 	snop  }
0x5d: {  	[tilespmem:s18], [sflag:$0x2] =	stream.indirect_vreg.gather [hbm4b:s8+s2], $0x80, v3, vm0, $0xb8;
	[tilespmem:$0x10100] =	vst v63  }
0x5e: {  	v3 =	vld [tilespmem:$0x10090];
	_ =	sdelay $0x4  }
0x5f: {  	v63 =	vshll.u32 v3, $0x3  }
0x60: {  	v3 =	vand.u32 $0x7, v3;
	v4 =	vand.u32 $0xFFFFFFC0, v63  }
0x61: {  	v3 =	vor.u32 v3, v4  }
0x62: {  	v4 =	vperm.xlane v3, v0;
	_ =	sdelay $0x1  }
0x63: {  	v4 =	vadd.s32 v1, v4;
	_ =	sdelay $0x4  }
0x64: {  	[tilespmem:s11], [sflag:$0x2] =	stream.indirect_vreg.gather [hbm4b:s3+s2], $0x80, v4, vm0, $0xb8;
	[tilespmem:$0x10100] =	vst v63  }
0x65: {  	v3 =	vperm.xlane v3, v2  }
0x66: {  	[tilespmem:s19], [sflag:$0x2] =	stream.indirect_vreg.gather [hbm4b:s6+s2], $0x80, v4, vm0, $0xb8;
	[tilespmem:$0x10100] =	vst v63  }
0x67: {  	v3 =	vadd.s32 v1, v3  }
0x68: {  	[tilespmem:s12], [sflag:$0x2] =	stream.indirect_vreg.gather [hbm4b:s7+s2], $0x80, v4, vm0, $0xb8;
	[tilespmem:$0x10100] =	vst v63  }
0x69: {  	_ = 	snop  }
0x6a: {  	[tilespmem:s20], [sflag:$0x2] =	stream.indirect_vreg.gather [hbm4b:s8+s2], $0x80, v4, vm0, $0xb8;
	[tilespmem:$0x10100] =	vst v63  }
0x6b: {  	_ = 	snop  }
0x6c: {  	[tilespmem:s13], [sflag:$0x2] =	stream.indirect_vreg.gather [hbm4b:s3+s2], $0x80, v3, vm0, $0xb8;
	[tilespmem:$0x10100] =	vst v63  }
0x6d: {  	_ = 	snop  }
0x6e: {  	[tilespmem:s21], [sflag:$0x2] =	stream.indirect_vreg.gather [hbm4b:s6+s2], $0x80, v3, vm0, $0xb8;
	[tilespmem:$0x10100] =	vst v63  }
0x6f: {  	_ = 	snop  }
0x70: {  	[tilespmem:s22], [sflag:$0x2] =	stream.indirect_vreg.gather [hbm4b:s7+s2], $0x80, v3, vm0, $0xb8;
	[tilespmem:$0x10100] =	vst v63  }
0x71: {  	_ = 	snop  }
0x72: {  	[tilespmem:s23], [sflag:$0x2] =	stream.indirect_vreg.gather [hbm4b:s8+s2], $0x80, v3, vm0, $0xb8;
	[tilespmem:$0x10100] =	vst v63  }
0x73: {  	_ =	swait.ge [sflag:s24], $0x8000  }
0x74: {  	[sflag:s24] =	ssyncset.done $0x0  }
0x75: {  	[sflag:s24] =	ssyncadd.s32 $0xFFFF8000  }
0x76: {  	_ =	swait.ge [sflag:s25], $0x8000  }
0x77: {  	[sflag:s25] =	ssyncset.done $0x0  }
0x78: {  	s28 =	simm.s32 $0x0;
	[sflag:s25] =	ssyncadd.s32 $0xFFFF8000  }
.LBB2_2:
0x79: {  	s0 =	sshll.u32 s28, $0xA;
	s9 =	sshll.u32 s28, $0x7  }
0x7a: {  	s29 =	simm.s32 $0x0;
	s0 =	sand.u32 $0x6000, s0;
	s9 =	sand.u32 $0x380, s9  }
0x7b: {  	s30 =	sor.u32 s0, s9;
	s9 =	sand.u32 $0x40, s29  }
0x7c: {  	s31 =	sand.u32 $0x1C00, s29;
	s0 =	sor.u32 s9, s30  }
0x7d: {  	s9 =	sor.u32 s31, s0  }
0x7e: {  	v3 =	vld [tilespmem:s9+$0x0]  }
0x7f: {  	v4 =	vld [tilespmem:s9+$0x8000];
	_ =	sdelay $0x4  }
0x80: {  	v3 =	vadd.f32 v4, v3;
	_ =	sdelay $0x1  }
0x81: {  	s0 =	sor.u32 $0x10, s9;
	[tilespmem:s9+$0x0] =	vst v3  }
0x82: {  	s31 =	sor.u32 $0x8010, s9;
	v3 =	vld [tilespmem:s0+$0x0]  }
0x83: {  	v4 =	vld [tilespmem:s31+$0x0];
	_ =	sdelay $0x4  }
0x84: {  	v3 =	vadd.f32 v4, v3;
	_ =	sdelay $0x1  }
0x85: {  	[tilespmem:s0+$0x0] =	vst v3;
	s0 =	sor.u32 $0x20, s9  }
0x86: {  	s1 =	sor.u32 $0x8020, s9;
	v3 =	vld [tilespmem:s0+$0x0]  }
0x87: {  	v4 =	vld [tilespmem:s1+$0x0];
	_ =	sdelay $0x4  }
0x88: {  	v3 =	vadd.f32 v4, v3;
	_ =	sdelay $0x1  }
0x89: {  	[tilespmem:s0+$0x0] =	vst v3;
	s0 =	sor.u32 $0x30, s9  }
0x8a: {  	s1 =	sor.u32 $0x8030, s9;
	v3 =	vld [tilespmem:s0+$0x0]  }
0x8b: {  	s9 =	simm.s32 $0x40;
	v4 =	vld [tilespmem:s1+$0x0]  }
.LBB2_3:
0x8c: {  	_ = 	snop  }
0x8d: {  	p0 =	sne.s32 s9, $0x3C0  }
0x8e: {  	s29 =	sadd.s32 $0x200, s29;
	s31 =	smov.u32 s9;
	s9 =	sadd.s32 $0x40, s9  }
0x8f: {  	_ = 	snop  }
0x90: {  	s31 =	sand.u32 $0x40, s31;
	v3 =	vadd.f32 v4, v3  }
0x91: {  	s1 =	sand.u32 $0x1C00, s29;
	s31 =	sor.u32 s31, s30  }
0x92: {  	s1 =	sor.u32 s1, s31;
	[tilespmem:s0+$0x0] =	vst v3  }
0x93: {  	v3 =	vld [tilespmem:s1+$0x0]  }
0x94: {  	v4 =	vld [tilespmem:s1+$0x8000];
	_ =	sdelay $0x4  }
0x95: {  	v3 =	vadd.f32 v4, v3;
	_ =	sdelay $0x1  }
0x96: {  	s31 =	sor.u32 $0x8010, s1;
	s0 =	sor.u32 $0x10, s1;
	[tilespmem:s1+$0x0] =	vst v3  }
0x97: {  	v3 =	vld [tilespmem:s0+$0x0]  }
0x98: {  	v4 =	vld [tilespmem:s31+$0x0];
	_ =	sdelay $0x4  }
0x99: {  	v3 =	vadd.f32 v4, v3;
	_ =	sdelay $0x1  }
0x9a: {  	s31 =	sor.u32 $0x8020, s1;
	[tilespmem:s0+$0x0] =	vst v3;
	s0 =	sor.u32 $0x20, s1  }
0x9b: {  	v3 =	vld [tilespmem:s0+$0x0]  }
0x9c: {  	v4 =	vld [tilespmem:s31+$0x0];
	_ =	sdelay $0x4  }
.Ltmp0:
0x9d: {  	v3 =	vadd.f32 v4, v3;
	(pc) =	sbr.rel @p0 .LBB2_3-.Ltmp0, $4  }
0x9e: {  	_ = 	snop  }
0x9f: {  	[tilespmem:s0+$0x0] =	vst v3;
	s0 =	sor.u32 $0x30, s1;
	s1 =	sor.u32 $0x8030, s1  }
0xa0: {  	v3 =	vld [tilespmem:s0+$0x0]  }
0xa1: {  	v4 =	vld [tilespmem:s1+$0x0]  }
0xa2: {  	s28 =	sadd.s32 $0x1, s28  }
0xa3: {  	p0 =	sne.s32 s28, $0x20  }
.Ltmp1:
0xa4: {  	_ = 	snop;
	(pc) =	sbr.rel @p0 .LBB2_2-.Ltmp1, $3  }
0xa5: {  	_ = 	snop  }
0xa6: {  	v3 =	vadd.f32 v4, v3;
	_ =	sdelay $0x1  }
0xa7: {  	[tilespmem:s0+$0x0] =	vst v3  }
0xa8: {  	s28 =	simm.s32 $0x0;
	s0 =	rddreg [dreg:$0x5]  }
0xa9: {  	[hbm4b:s0+s28] =	stream.linear.scatter [tilespmem:s28], [sflag:$0x3], $0x8000, $0x38;
	[tilespmem:$0x10100] =	vst v63  }
0xaa: {  	_ =	swait.ge [sflag:s15], $0x8000  }
0xab: {  	[sflag:s15] =	ssyncset.done $0x0  }
0xac: {  	s1 =	rddreg [dreg:$0x6];
	[sflag:s15] =	ssyncadd.s32 $0xFFFF8000  }
0xad: {  	[tilespmem:s4], [sflag:$0x3] =	stream.linear.gather [hbm4b:s1+s28], $0x20, $0x38;
	[tilespmem:$0x10100] =	vst v63  }
0xae: {  	_ =	swait.ge [sflag:s15], $0x20  }
0xaf: {  	[sflag:s15] =	ssyncset.done $0x0  }
0xb0: {  	s1 =	simm.s32 $0x10080;
	s9 =	rddreg [dreg:$0x7];
	[sflag:s15] =	ssyncadd.s32 $0xFFFFFFE0  }
0xb1: {  	[tilespmem:s1], [sflag:$0x3] =	stream.linear.gather [hbm4b:s9+s28], $0x20, $0x38;
	[tilespmem:$0x10100] =	vst v63  }
0xb2: {  	_ =	swait.ge [sflag:s15], $0x20  }
0xb3: {  	[sflag:s15] =	ssyncset.done $0x0  }
0xb4: {  	[sflag:s15] =	ssyncadd.s32 $0xFFFFFFE0  }
0xb5: {  	v3 =	vld [tilespmem:$0x10000];
	_ =	sdelay $0x4  }
0xb6: {  	v4 =	vshll.u32 v3, $0x3  }
0xb7: {  	v3 =	vand.u32 $0x7, v3;
	v4 =	vand.u32 $0xFFFFFFC0, v4  }
0xb8: {  	v3 =	vor.u32 v3, v4  }
0xb9: {  	v4 =	vperm.xlane v3, v0;
	_ =	sdelay $0x1  }
0xba: {  	v4 =	vadd.s32 v1, v4;
	_ =	sdelay $0x4  }
0xbb: {  	[tilespmem:s28], [sflag:$0x1] =	stream.indirect_vreg.gather [hbm4b:s3+s28], $0x80, v4, vm0, $0xb8;
	[tilespmem:$0x10100] =	vst v63  }
0xbc: {  	s30 =	simm.s32 $0x800;
	v3 =	vperm.xlane v3, v2  }
0xbd: {  	[tilespmem:s30], [sflag:$0x1] =	stream.indirect_vreg.gather [hbm4b:s6+s28], $0x80, v4, vm0, $0xb8;
	[tilespmem:$0x10100] =	vst v63  }
0xbe: {  	s31 =	simm.s32 $0x1000;
	v3 =	vadd.s32 v1, v3  }
0xbf: {  	[tilespmem:s31], [sflag:$0x1] =	stream.indirect_vreg.gather [hbm4b:s7+s28], $0x80, v4, vm0, $0xb8;
	[tilespmem:$0x10100] =	vst v63  }
0xc0: {  	s1 =	simm.s32 $0x1800  }
0xc1: {  	[tilespmem:s1], [sflag:$0x1] =	stream.indirect_vreg.gather [hbm4b:s8+s28], $0x80, v4, vm0, $0xb8;
	[tilespmem:$0x10100] =	vst v63  }
0xc2: {  	s4 =	simm.s32 $0x2000  }
0xc3: {  	[tilespmem:s4], [sflag:$0x1] =	stream.indirect_vreg.gather [hbm4b:s3+s28], $0x80, v3, vm0, $0xb8;
	[tilespmem:$0x10100] =	vst v63  }
0xc4: {  	s9 =	simm.s32 $0x2800  }
0xc5: {  	[tilespmem:s9], [sflag:$0x1] =	stream.indirect_vreg.gather [hbm4b:s6+s28], $0x80, v3, vm0, $0xb8;
	[tilespmem:$0x10100] =	vst v63  }
0xc6: {  	s30 =	simm.s32 $0x3000  }
0xc7: {  	[tilespmem:s30], [sflag:$0x1] =	stream.indirect_vreg.gather [hbm4b:s7+s28], $0x80, v3, vm0, $0xb8;
	[tilespmem:$0x10100] =	vst v63  }
0xc8: {  	s31 =	simm.s32 $0x3800  }
0xc9: {  	[tilespmem:s31], [sflag:$0x1] =	stream.indirect_vreg.gather [hbm4b:s8+s28], $0x80, v3, vm0, $0xb8;
	[tilespmem:$0x10100] =	vst v63  }
0xca: {  	v3 =	vld [tilespmem:$0x10010];
	_ =	sdelay $0x4  }
0xcb: {  	v61 =	vshll.u32 v3, $0x3  }
0xcc: {  	v3 =	vand.u32 $0x7, v3;
	v4 =	vand.u32 $0xFFFFFFC0, v61  }
0xcd: {  	v3 =	vor.u32 v3, v4  }
0xce: {  	v4 =	vperm.xlane v3, v0;
	_ =	sdelay $0x1  }
0xcf: {  	v4 =	vadd.s32 v1, v4;
	_ =	sdelay $0x3  }
0xd0: {  	s1 =	simm.s32 $0x4000  }
0xd1: {  	[tilespmem:s1], [sflag:$0x1] =	stream.indirect_vreg.gather [hbm4b:s3+s28], $0x80, v4, vm0, $0xb8;
	[tilespmem:$0x10100] =	vst v63  }
0xd2: {  	s4 =	simm.s32 $0x4800;
	v3 =	vperm.xlane v3, v2  }
0xd3: {  	[tilespmem:s4], [sflag:$0x1] =	stream.indirect_vreg.gather [hbm4b:s6+s28], $0x80, v4, vm0, $0xb8;
	[tilespmem:$0x10100] =	vst v63  }
0xd4: {  	s9 =	simm.s32 $0x5000;
	v3 =	vadd.s32 v1, v3  }
0xd5: {  	[tilespmem:s9], [sflag:$0x1] =	stream.indirect_vreg.gather [hbm4b:s7+s28], $0x80, v4, vm0, $0xb8;
	[tilespmem:$0x10100] =	vst v63  }
0xd6: {  	s30 =	simm.s32 $0x5800  }
0xd7: {  	[tilespmem:s30], [sflag:$0x1] =	stream.indirect_vreg.gather [hbm4b:s8+s28], $0x80, v4, vm0, $0xb8;
	[tilespmem:$0x10100] =	vst v63  }
0xd8: {  	s31 =	simm.s32 $0x6000  }
0xd9: {  	[tilespmem:s31], [sflag:$0x1] =	stream.indirect_vreg.gather [hbm4b:s3+s28], $0x80, v3, vm0, $0xb8;
	[tilespmem:$0x10100] =	vst v63  }
0xda: {  	s1 =	simm.s32 $0x6800  }
0xdb: {  	[tilespmem:s1], [sflag:$0x1] =	stream.indirect_vreg.gather [hbm4b:s6+s28], $0x80, v3, vm0, $0xb8;
	[tilespmem:$0x10100] =	vst v63  }
0xdc: {  	s4 =	simm.s32 $0x7000  }
0xdd: {  	[tilespmem:s4], [sflag:$0x1] =	stream.indirect_vreg.gather [hbm4b:s7+s28], $0x80, v3, vm0, $0xb8;
	[tilespmem:$0x10100] =	vst v63  }
0xde: {  	s9 =	simm.s32 $0x7800  }
0xdf: {  	[tilespmem:s9], [sflag:$0x1] =	stream.indirect_vreg.gather [hbm4b:s8+s28], $0x80, v3, vm0, $0xb8;
	[tilespmem:$0x10100] =	vst v63  }
0xe0: {  	v3 =	vld [tilespmem:$0x10080];
	_ =	sdelay $0x4  }
0xe1: {  	v62 =	vshll.u32 v3, $0x3  }
0xe2: {  	v3 =	vand.u32 $0x7, v3;
	v4 =	vand.u32 $0xFFFFFFC0, v62  }
0xe3: {  	v3 =	vor.u32 v3, v4  }
0xe4: {  	v4 =	vperm.xlane v3, v0;
	_ =	sdelay $0x1  }
0xe5: {  	v4 =	vadd.s32 v1, v4;
	_ =	sdelay $0x3  }
0xe6: {  	s30 =	simm.s32 $0x8000  }
0xe7: {  	[tilespmem:s30], [sflag:$0x2] =	stream.indirect_vreg.gather [hbm4b:s3+s28], $0x80, v4, vm0, $0xb8;
	[tilespmem:$0x10100] =	vst v63  }
0xe8: {  	s31 =	simm.s32 $0x8800;
	v3 =	vperm.xlane v3, v2  }
0xe9: {  	[tilespmem:s31], [sflag:$0x2] =	stream.indirect_vreg.gather [hbm4b:s6+s28], $0x80, v4, vm0, $0xb8;
	[tilespmem:$0x10100] =	vst v63  }
0xea: {  	v3 =	vadd.s32 v1, v3  }
0xeb: {  	[tilespmem:s5], [sflag:$0x2] =	stream.indirect_vreg.gather [hbm4b:s7+s28], $0x80, v4, vm0, $0xb8;
	[tilespmem:$0x10100] =	vst v63  }
0xec: {  	_ = 	snop  }
0xed: {  	[tilespmem:s14], [sflag:$0x2] =	stream.indirect_vreg.gather [hbm4b:s8+s28], $0x80, v4, vm0, $0xb8;
	[tilespmem:$0x10100] =	vst v63  }
0xee: {  	_ = 	snop  }
0xef: {  	[tilespmem:s16], [sflag:$0x2] =	stream.indirect_vreg.gather [hbm4b:s3+s28], $0x80, v3, vm0, $0xb8;
	[tilespmem:$0x10100] =	vst v63  }
0xf0: {  	_ = 	snop  }
0xf1: {  	[tilespmem:s17], [sflag:$0x2] =	stream.indirect_vreg.gather [hbm4b:s6+s28], $0x80, v3, vm0, $0xb8;
	[tilespmem:$0x10100] =	vst v63  }
0xf2: {  	_ = 	snop  }
0xf3: {  	[tilespmem:s10], [sflag:$0x2] =	stream.indirect_vreg.gather [hbm4b:s7+s28], $0x80, v3, vm0, $0xb8;
	[tilespmem:$0x10100] =	vst v63  }
0xf4: {  	_ = 	snop  }
0xf5: {  	[tilespmem:s18], [sflag:$0x2] =	stream.indirect_vreg.gather [hbm4b:s8+s28], $0x80, v3, vm0, $0xb8;
	[tilespmem:$0x10100] =	vst v63  }
0xf6: {  	v3 =	vld [tilespmem:$0x10090];
	_ =	sdelay $0x4  }
0xf7: {  	v63 =	vshll.u32 v3, $0x3  }
0xf8: {  	v3 =	vand.u32 $0x7, v3;
	v4 =	vand.u32 $0xFFFFFFC0, v63  }
0xf9: {  	v3 =	vor.u32 v3, v4  }
0xfa: {  	v4 =	vperm.xlane v3, v0;
	_ =	sdelay $0x1  }
0xfb: {  	v4 =	vadd.s32 v1, v4;
	_ =	sdelay $0x4  }
0xfc: {  	[tilespmem:s11], [sflag:$0x2] =	stream.indirect_vreg.gather [hbm4b:s3+s28], $0x80, v4, vm0, $0xb8;
	[tilespmem:$0x10100] =	vst v63  }
0xfd: {  	v3 =	vperm.xlane v3, v2  }
0xfe: {  	[tilespmem:s19], [sflag:$0x2] =	stream.indirect_vreg.gather [hbm4b:s6+s28], $0x80, v4, vm0, $0xb8;
	[tilespmem:$0x10100] =	vst v63  }
0xff: {  	v3 =	vadd.s32 v1, v3  }
0x100: {  	[tilespmem:s12], [sflag:$0x2] =	stream.indirect_vreg.gather [hbm4b:s7+s28], $0x80, v4, vm0, $0xb8;
	[tilespmem:$0x10100] =	vst v63  }
0x101: {  	_ = 	snop  }
0x102: {  	[tilespmem:s20], [sflag:$0x2] =	stream.indirect_vreg.gather [hbm4b:s8+s28], $0x80, v4, vm0, $0xb8;
	[tilespmem:$0x10100] =	vst v63  }
0x103: {  	_ = 	snop  }
0x104: {  	[tilespmem:s13], [sflag:$0x2] =	stream.indirect_vreg.gather [hbm4b:s3+s28], $0x80, v3, vm0, $0xb8;
	[tilespmem:$0x10100] =	vst v63  }
0x105: {  	_ = 	snop  }
0x106: {  	[tilespmem:s21], [sflag:$0x2] =	stream.indirect_vreg.gather [hbm4b:s6+s28], $0x80, v3, vm0, $0xb8;
	[tilespmem:$0x10100] =	vst v63  }
0x107: {  	_ = 	snop  }
0x108: {  	[tilespmem:s22], [sflag:$0x2] =	stream.indirect_vreg.gather [hbm4b:s7+s28], $0x80, v3, vm0, $0xb8;
	[tilespmem:$0x10100] =	vst v63  }
0x109: {  	_ = 	snop  }
0x10a: {  	[tilespmem:s23], [sflag:$0x2] =	stream.indirect_vreg.gather [hbm4b:s8+s28], $0x80, v3, vm0, $0xb8;
	[tilespmem:$0x10100] =	vst v63  }
0x10b: {  	_ =	swait.ge [sflag:s24], $0x8000  }
0x10c: {  	[sflag:s24] =	ssyncset.done $0x0  }
0x10d: {  	[sflag:s24] =	ssyncadd.s32 $0xFFFF8000  }
0x10e: {  	_ =	swait.ge [sflag:s25], $0x8000  }
0x10f: {  	[sflag:s25] =	ssyncset.done $0x0  }
0x110: {  	s29 =	simm.s32 $0x0;
	[sflag:s25] =	ssyncadd.s32 $0xFFFF8000  }
.LBB2_6:
0x111: {  	s0 =	sshll.u32 s29, $0xA;
	s1 =	sshll.u32 s29, $0x7  }
0x112: {  	s0 =	sand.u32 $0x6000, s0;
	s1 =	sand.u32 $0x380, s1  }
0x113: {  	s4 =	sand.u32 $0x40, s28;
	s30 =	sor.u32 s0, s1  }
0x114: {  	s9 =	sand.u32 $0x1C00, s28;
	s0 =	sor.u32 s4, s30  }
0x115: {  	s1 =	sor.u32 s9, s0  }
0x116: {  	v3 =	vld [tilespmem:s1+$0x0]  }
0x117: {  	v4 =	vld [tilespmem:s1+$0x8000];
	_ =	sdelay $0x4  }
0x118: {  	v3 =	vadd.f32 v4, v3;
	_ =	sdelay $0x1  }
0x119: {  	s0 =	sor.u32 $0x10, s1;
	[tilespmem:s1+$0x0] =	vst v3  }
0x11a: {  	s9 =	sor.u32 $0x8010, s1;
	v3 =	vld [tilespmem:s0+$0x0]  }
0x11b: {  	v4 =	vld [tilespmem:s9+$0x0];
	_ =	sdelay $0x4  }
0x11c: {  	v3 =	vadd.f32 v4, v3;
	_ =	sdelay $0x1  }
0x11d: {  	[tilespmem:s0+$0x0] =	vst v3;
	s0 =	sor.u32 $0x20, s1  }
0x11e: {  	s4 =	sor.u32 $0x8020, s1;
	v3 =	vld [tilespmem:s0+$0x0]  }
0x11f: {  	v4 =	vld [tilespmem:s4+$0x0];
	_ =	sdelay $0x4  }
0x120: {  	v3 =	vadd.f32 v4, v3;
	_ =	sdelay $0x1  }
0x121: {  	[tilespmem:s0+$0x0] =	vst v3;
	s0 =	sor.u32 $0x30, s1  }
0x122: {  	s1 =	sor.u32 $0x8030, s1;
	v3 =	vld [tilespmem:s0+$0x0]  }
0x123: {  	s31 =	simm.s32 $0x0;
	s9 =	simm.s32 $0x40;
	v4 =	vld [tilespmem:s1+$0x0]  }
.LBB2_7:
0x124: {  	_ = 	snop  }
0x125: {  	p0 =	sne.s32 s9, $0x3C0  }
0x126: {  	s31 =	sadd.s32 $0x200, s31;
	s1 =	smov.u32 s9;
	s9 =	sadd.s32 $0x40, s9  }
0x127: {  	_ = 	snop  }
0x128: {  	s1 =	sand.u32 $0x40, s1;
	v3 =	vadd.f32 v4, v3  }
0x129: {  	s4 =	sand.u32 $0x1C00, s31;
	s1 =	sor.u32 s1, s30  }
0x12a: {  	s1 =	sor.u32 s4, s1;
	[tilespmem:s0+$0x0] =	vst v3  }
0x12b: {  	v3 =	vld [tilespmem:s1+$0x0]  }
0x12c: {  	v4 =	vld [tilespmem:s1+$0x8000];
	_ =	sdelay $0x4  }
0x12d: {  	v3 =	vadd.f32 v4, v3;
	_ =	sdelay $0x1  }
0x12e: {  	s4 =	sor.u32 $0x8010, s1;
	s0 =	sor.u32 $0x10, s1;
	[tilespmem:s1+$0x0] =	vst v3  }
0x12f: {  	v3 =	vld [tilespmem:s0+$0x0]  }
0x130: {  	v4 =	vld [tilespmem:s4+$0x0];
	_ =	sdelay $0x4  }
0x131: {  	v3 =	vadd.f32 v4, v3;
	_ =	sdelay $0x1  }
0x132: {  	s4 =	sor.u32 $0x8020, s1;
	[tilespmem:s0+$0x0] =	vst v3;
	s0 =	sor.u32 $0x20, s1  }
0x133: {  	v3 =	vld [tilespmem:s0+$0x0]  }
0x134: {  	v4 =	vld [tilespmem:s4+$0x0];
	_ =	sdelay $0x4  }
.Ltmp2:
0x135: {  	v3 =	vadd.f32 v4, v3;
	(pc) =	sbr.rel @p0 .LBB2_7-.Ltmp2, $4  }
0x136: {  	_ = 	snop  }
0x137: {  	[tilespmem:s0+$0x0] =	vst v3;
	s0 =	sor.u32 $0x30, s1;
	s1 =	sor.u32 $0x8030, s1  }
0x138: {  	v3 =	vld [tilespmem:s0+$0x0]  }
0x139: {  	v4 =	vld [tilespmem:s1+$0x0]  }
0x13a: {  	s29 =	sadd.s32 $0x1, s29  }
0x13b: {  	p0 =	sne.s32 s29, $0x20  }
.Ltmp3:
0x13c: {  	_ = 	snop;
	(pc) =	sbr.rel @p0 .LBB2_6-.Ltmp3, $3  }
0x13d: {  	_ = 	snop  }
0x13e: {  	v3 =	vadd.f32 v4, v3;
	_ =	sdelay $0x1  }
0x13f: {  	[tilespmem:s0+$0x0] =	vst v3  }
0x140: {  	s0 =	rddreg [dreg:$0x8]  }
0x141: {  	[hbm4b:s0+s2] =	stream.linear.scatter [tilespmem:s2], [sflag:$0x3], $0x8000, $0x38;
	[tilespmem:$0x10100] =	vst v63  }
0x142: {  	_ =	swait.ge [sflag:s15], $0x8000  }
0x143: {  	s26 =	sadd.s32 $0x1, s26;
	s31 =	rddreg [dreg:$0x9]  }
0x144: {  	p0 =	sne.s32 s26, s31  }
.Ltmp4:
0x145: {  	_ = 	snop;
	(pc) =	sbr.rel @p0 .LBB2_1-.Ltmp4, $3  }
0x146: {  	_ =	sdelay $0x1  }
0x147: {  	[sflag:s15] =	ssyncset.done $0x0  }
0x148: {  	s4 =	simm.s32 $0x10000;
	[sflag:s15] =	ssyncadd.s32 $0xFFFF8000  }
0x149: {  	_ =	sfence.sel $0x180000  }
0x14a: {  	[bflag:$0x0] =	sbarrier.arrive $0xFFFF  }
0x14b: {  	_ =	strace $0x9000004A  }
0x14c: {  	s0 =	stileid.u32;
	[bflag:$0x2] =	sbarrier.arrive $0xFFFF  }
0x14d: {  	p0 =	sne.s32 s0, $0x0;
	s0 =	rddreg [dreg:$0x2]  }
0x14e: {  	s0 =	sadd.s32 @!p0 $0x100000, s0  }
0x14f: {  	[sflag:s0] =	ssyncadd.tile.s32 @!p0 $0x1;
	_ =	shalt  }
.Lfunc_end2:
_tile_overlayer_lowered:
.L_overlay_start_2:
0x150: {  	(tag) =	ssettag $0x2  }
0x151: {  	s0 =	rddreg [dreg:$0x0];
	s2 =	stileid.u32  }
0x152: {  	s1 =	rddreg [dreg:$0x1];
	p0 =	sne.s32 s2, $0x0  }
0x153: {  	s3 =	rddreg [dreg:$0x2];
	[bflag:$0x3] =	sbarrier.arrive $0xFFFF;
	s2 =	simm.s32 @!p0 $0x1C03  }
0x154: {  	[timem:s3], [sflag:s2] =	dma.local @!p0 [hbm:s0], s1  }
0x155: {  	s0 =	simm.s32 @!p0 $0x3  }
0x156: {  	_ =	swait.ge @!p0 [sflag:s0], s1  }
0x157: {  	s1 =	ssub.s32 @!p0 $0x0, s1;
	[sflag:s0] =	ssyncset.done @!p0 $0x0  }
0x158: {  	[sflag:s0] =	ssyncadd.s32 @!p0 s1  }
0x159: {  	[bflag:$0x3] =	sbarrier.arrive $0xFFFF  }
0x15a: {  	_ =	shalt  }

</sc_bundles>
